<compile_context>
chip_gen: v7x
topology: tpu7x:2x2x1
jax: 0.10.2.dev20260603
libtpu: 0.0.44.dev20260713+nightly
codegen_flags: <defaults>
</compile_context>

<pallas_src>
import jax
import jax.numpy as jnp
from jax import lax
from jax.experimental import pallas as pl
from jax.experimental.pallas import tpu as pltpu
from jax.experimental.pallas import tpu_sc as plsc

ENT_NUM = 50000
RULE_NUM = 10000
REL_NUM = 500
D = 128
B = 16
NNZ = 1600000
REL_PAD = 512
ENT_PAD = 50176
NW = 32
CHUNK = 2048
RBLK = 1000


def _proj_body(raw_ref, w_ref, b_ref, q_ref, w1_ref, b1_ref, w2_ref, b2_ref,
               e_ref, btw_ref):
    e = jnp.dot(raw_ref[...], w_ref[...], preferred_element_type=jnp.float32)
    e = e + b_ref[...]
    row = lax.broadcasted_iota(jnp.int32, (REL_PAD, 1), 0)
    e = jnp.where(row < REL_NUM, e, 0.0)
    e_ref[...] = e
    qoh = (lax.broadcasted_iota(jnp.int32, (B, REL_PAD), 1) == q_ref[...])
    qe = jnp.dot(qoh.astype(jnp.float32), e, preferred_element_type=jnp.float32)
    h = jnp.maximum(
        jnp.dot(qe, w1_ref[...], preferred_element_type=jnp.float32) + b1_ref[...],
        0.0)
    z = jnp.dot(h, w2_ref[...], preferred_element_type=jnp.float32) + b2_ref[...]
    btw_ref[...] = jax.nn.sigmoid(z)


def _rule_body(rm_ref, e_ref, wih_ref, whh_ref, lb_ref, out_ref):
    ids = rm_ref[...]
    e = e_ref[...]
    col = lax.broadcasted_iota(jnp.int32, (RBLK, REL_PAD), 1)

    def emb(t):
        oh = (col == ids[:, t:t + 1]).astype(jnp.float32)
        return jnp.dot(oh, e, preferred_element_type=jnp.float32)

    qe = emb(0)
    wih = wih_ref[...]
    whh = whh_ref[...]
    lb = lb_ref[...]
    h = None
    c = None
    for t in (1, 2, 3):
        x = emb(t)
        g = jnp.dot(x, wih, preferred_element_type=jnp.float32) + lb
        if h is not None:
            g = g + jnp.dot(h, whh, preferred_element_type=jnp.float32)
        i = jax.nn.sigmoid(g[:, 0:D])
        f = jax.nn.sigmoid(g[:, D:2 * D])
        gg = jnp.tanh(g[:, 2 * D:3 * D])
        o = jax.nn.sigmoid(g[:, 3 * D:4 * D])
        c = f * c + i * gg if c is not None else i * gg
        h = o * jnp.tanh(c)
    eps = 1e-8
    qn = jnp.maximum(jnp.sqrt(jnp.sum(qe * qe, axis=1, keepdims=True)), eps)
    bn = jnp.maximum(jnp.sqrt(jnp.sum(h * h, axis=1, keepdims=True)), eps)
    out_ref[...] = jnp.sum(qe * h, axis=1, keepdims=True) / (qn * bn)


def _sc_body(ent_ref, rul_ref, td_ref, rtab_ref, ma_ref,
             pt_ref, pe_ref,
             ent_v, rul_v, td_v, rtab_v, meta_v, acc_t, acc_e):
    wid = lax.axis_index("s") * 2 + lax.axis_index("c")

    zeros = jnp.zeros((16,), jnp.float32)

    def zbody(i, carry):
        acc_t[pl.ds(i * 16, 16)] = zeros
        acc_e[pl.ds(i * 16, 16)] = zeros
        return carry

    lax.fori_loop(0, ENT_PAD // 16, zbody, 0)

    pltpu.sync_copy(rtab_ref, rtab_v)

    pltpu.sync_copy(ma_ref.at[wid], meta_v)
    mv = meta_v[pl.ds(0, 16)]
    astart = mv[0]
    nchunks = mv[1]
    start_vec = jnp.full((16,), mv[2], jnp.int32)
    end_vec = jnp.full((16,), mv[3], jnp.int32)
    lane = lax.iota(jnp.int32, 16)

    def chunk_body(ci, carry):
        chunk_lo = astart + ci * CHUNK
        off = pl.multiple_of(jnp.minimum(chunk_lo, NNZ - CHUNK), 16)
        pltpu.sync_copy(ent_ref.at[pl.ds(off, CHUNK)], ent_v)
        pltpu.sync_copy(rul_ref.at[pl.ds(off, CHUNK)], rul_v)
        pltpu.sync_copy(td_ref.at[pl.ds(off, CHUNK)], td_v)
        lo_vec = jnp.maximum(start_vec, jnp.full((16,), chunk_lo, jnp.int32))
        g0 = jnp.full((16,), off, jnp.int32) + lane

        def inner(j, g):
            e = ent_v[pl.ds(j * 16, 16)]
            r = rul_v[pl.ds(j * 16, 16)]
            t = td_v[pl.ds(j * 16, 16)]
            m = (g >= lo_vec) & (g < end_vec)
            tv = jnp.exp(t * -0.1)
            plsc.addupdate_scatter(acc_t, [e], tv, mask=m)
            rv = plsc.load_gather(rtab_v, [r], mask=m)
            plsc.addupdate_scatter(acc_e, [e], rv, mask=m)
            return g + 16

        lax.fori_loop(0, CHUNK // 16, inner, g0)
        return carry

    lax.fori_loop(0, nchunks, chunk_body, 0)

    pltpu.sync_copy(acc_t, pt_ref.at[wid])
    pltpu.sync_copy(acc_e, pe_ref.at[wid])


def _combine_body(pt_ref, pe_ref, btw_ref, out_ref):
    pt = pt_ref[...]
    pe = pe_ref[...]
    t = pt[:, 0, :] + pt[:, 1, :]
    e = pe[:, 0, :] + pe[:, 1, :]
    col = lax.broadcasted_iota(jnp.int32, (1, ENT_PAD), 1)
    valid = col < ENT_NUM

    def sm(x):
        xm = jnp.where(valid, x, -1e30)
        m = jnp.max(xm, axis=1, keepdims=True)
        ex = jnp.where(valid, jnp.exp(x - m), 0.0)
        s = jnp.sum(ex, axis=1, keepdims=True)
        return ex / s

    ts = sm(t)
    es = sm(e)
    w = btw_ref[...].reshape(1, 1)
    res = (1.0 - w) * es + w * ts
    out_ref[...] = res[:, :ENT_NUM].reshape(1, 1, ENT_NUM)


def kernel(relation_raw_embed, rule_matrix, batch_query_rels, nnz_batch_ids,
           nnz_ent_ids, nnz_rule_ids, nnz_time_delta, rel_proj_W, rel_proj_b,
           lstm_W_ih, lstm_W_hh, lstm_b, relmlp_W1, relmlp_b1, relmlp_W2,
           relmlp_b2):
    f32 = jnp.float32
    raw = jnp.pad(relation_raw_embed.astype(f32),
                  ((0, REL_PAD - REL_NUM), (0, 0)))
    q = batch_query_rels.astype(jnp.int32).reshape(B, 1)
    rm = rule_matrix.astype(jnp.int32)
    bids = nnz_batch_ids.astype(jnp.int32)
    ent = nnz_ent_ids.astype(jnp.int32)
    rul = nnz_rule_ids.astype(jnp.int32)
    td = nnz_time_delta.astype(f32)

    e_emb, btw = pl.pallas_call(
        _proj_body,
        out_shape=[jax.ShapeDtypeStruct((REL_PAD, D), f32),
                   jax.ShapeDtypeStruct((B, 1), f32)],
    )(raw, rel_proj_W.astype(f32), rel_proj_b.astype(f32).reshape(1, D), q,
      relmlp_W1.astype(f32), relmlp_b1.astype(f32).reshape(1, D),
      relmlp_W2.astype(f32), relmlp_b2.astype(f32).reshape(1, 1))

    rs = pl.pallas_call(
        _rule_body,
        grid=(RULE_NUM // RBLK,),
        in_specs=[pl.BlockSpec((RBLK, 4), lambda i: (i, 0)),
                  pl.BlockSpec((REL_PAD, D), lambda i: (0, 0)),
                  pl.BlockSpec((D, 4 * D), lambda i: (0, 0)),
                  pl.BlockSpec((D, 4 * D), lambda i: (0, 0)),
                  pl.BlockSpec((1, 4 * D), lambda i: (0, 0))],
        out_specs=pl.BlockSpec((RBLK, 1), lambda i: (i, 0)),
        out_shape=jax.ShapeDtypeStruct((RULE_NUM, 1), f32),
    )(rm, e_emb, lstm_W_ih.astype(f32), lstm_W_hh.astype(f32),
      lstm_b.astype(f32).reshape(1, 4 * D))

    barange = jnp.arange(B, dtype=bids.dtype)
    starts = jnp.searchsorted(bids, barange, side="left").astype(jnp.int32)
    ends = jnp.searchsorted(bids, barange, side="right").astype(jnp.int32)
    w = jnp.arange(NW, dtype=jnp.int32)
    bb = w // 2
    hh = w % 2
    lo = starts[bb]
    hi = ends[bb]
    mid = lo + (hi - lo) // 2
    tile_start = jnp.where(hh == 0, lo, mid)
    tile_end = jnp.where(hh == 0, mid, hi)
    astart = (tile_start // 16) * 16
    nch = (tile_end - astart + CHUNK - 1) // CHUNK
    meta = jnp.stack([astart, nch, tile_start, tile_end], axis=1)
    meta = jnp.pad(meta.astype(jnp.int32), ((0, 0), (0, 128 - 4)))

    sc_fn = pl.kernel(
        _sc_body,
        out_type=[jax.ShapeDtypeStruct((NW, ENT_PAD), f32),
                  jax.ShapeDtypeStruct((NW, ENT_PAD), f32)],
        mesh=plsc.VectorSubcoreMesh(core_axis_name="c", subcore_axis_name="s"),
        compiler_params=pltpu.CompilerParams(needs_layout_passes=False),
        scratch_types=[pltpu.VMEM((CHUNK,), jnp.int32),
                       pltpu.VMEM((CHUNK,), jnp.int32),
                       pltpu.VMEM((CHUNK,), f32),
                       pltpu.VMEM((RULE_NUM,), f32),
                       pltpu.VMEM((128,), jnp.int32),
                       pltpu.VMEM((ENT_PAD,), f32),
                       pltpu.VMEM((ENT_PAD,), f32)],
    )
    pt, pe = sc_fn(ent, rul, td, rs.reshape(RULE_NUM), meta)

    out = pl.pallas_call(
        _combine_body,
        grid=(B,),
        in_specs=[pl.BlockSpec((1, 2, ENT_PAD), lambda b: (b, 0, 0)),
                  pl.BlockSpec((1, 2, ENT_PAD), lambda b: (b, 0, 0)),
                  pl.BlockSpec((1, 1, 1), lambda b: (b, 0, 0))],
        out_specs=pl.BlockSpec((1, 1, ENT_NUM), lambda b: (b, 0, 0)),
        out_shape=jax.ShapeDtypeStruct((B, 1, ENT_NUM), f32),
    )(pt.reshape(B, 2, ENT_PAD), pe.reshape(B, 2, ENT_PAD),
      btw.reshape(B, 1, 1))
    return out.reshape(B, ENT_NUM), rs

# --- scband reference (transcript-rebuilt; emitter-appended) ---
"""Pipeline reference for scband-tlogic-21268678049953 (READ-ONLY COPY).

The authoritative reference and input builder live on the scoring server;
editing this copy changes nothing except your own understanding.
"""

import jax, jax.numpy as jnp
import numpy as np

ENT_NUM = 50000
RULE_NUM = 10000
REL_NUM = 500
D = 128
LLM_DIM = 4096
B = 16
NNZ = 1600000
MAX_RULE_LEN = 3


def _lstm_last(x, W_ih, W_hh, b):
    # batch_first LSTM, zero init states, return last timestep hidden (PyTorch gate order i,f,g,o)
    n = x.shape[0]
    h = jnp.zeros((n, D), jnp.float32)
    c = jnp.zeros((n, D), jnp.float32)
    for t in range(x.shape[1]):
        g = x[:, t, :] @ W_ih + h @ W_hh + b
        i, f, gg, o = jnp.split(g, 4, axis=-1)
        i = jax.nn.sigmoid(i)
        f = jax.nn.sigmoid(f)
        gg = jnp.tanh(gg)
        o = jax.nn.sigmoid(o)
        c = f * c + i * gg
        h = o * jnp.tanh(c)
    return h


def setup_inputs(seed: int = 0):
    key = jax.random.key(seed)
    ks = jax.random.split(key, 16)
    inp = {}
    inp["relation_raw_embed"] = jax.random.normal(ks[0], (REL_NUM, LLM_DIM), jnp.float32) * 0.02
    inp["rule_matrix"] = jax.random.randint(ks[1], (RULE_NUM, MAX_RULE_LEN + 1), 0, REL_NUM + 1)
    inp["batch_query_rels"] = jax.random.randint(ks[2], (B,), 0, REL_NUM)
    inp["nnz_batch_ids"] = jnp.sort(jax.random.randint(ks[3], (NNZ,), 0, B))
    inp["nnz_ent_ids"] = jax.random.randint(ks[4], (NNZ,), 0, ENT_NUM)
    inp["nnz_rule_ids"] = jax.random.randint(ks[5], (NNZ,), 0, RULE_NUM)
    inp["nnz_time_delta"] = jax.random.uniform(ks[6], (NNZ,), jnp.float32, 0.0, 100.0)
    inp["rel_proj_W"] = jax.random.normal(ks[7], (LLM_DIM, D), jnp.float32) * (1.0 / np.sqrt(LLM_DIM))
    inp["rel_proj_b"] = jnp.zeros((D,), jnp.float32)
    inp["lstm_W_ih"] = jax.random.normal(ks[8], (D, 4 * D), jnp.float32) * (1.0 / np.sqrt(D))
    inp["lstm_W_hh"] = jax.random.normal(ks[9], (D, 4 * D), jnp.float32) * (1.0 / np.sqrt(D))
    inp["lstm_b"] = jnp.zeros((4 * D,), jnp.float32)
    inp["relmlp_W1"] = jax.random.normal(ks[10], (D, D), jnp.float32) * (1.0 / np.sqrt(D))
    inp["relmlp_b1"] = jnp.zeros((D,), jnp.float32)
    inp["relmlp_W2"] = jax.random.normal(ks[11], (D, 1), jnp.float32) * (1.0 / np.sqrt(D))
    inp["relmlp_b2"] = jnp.zeros((1,), jnp.float32)
    return inp


def reference(relation_raw_embed, rule_matrix, batch_query_rels, nnz_batch_ids, nnz_ent_ids,
              nnz_rule_ids, nnz_time_delta, rel_proj_W, rel_proj_b, lstm_W_ih, lstm_W_hh,
              lstm_b, relmlp_W1, relmlp_b1, relmlp_W2, relmlp_b2):
    # rel_proj + pad row of zeros (pad rel id == REL_NUM)
    rel_embedding = relation_raw_embed @ rel_proj_W + rel_proj_b
    rel_embedding = jnp.concatenate([rel_embedding, jnp.zeros((1, D), jnp.float32)], axis=0)
    # per-query time/rule mixing weight via rel_MLP
    batch_query_rel_embs = rel_embedding[batch_query_rels]
    h = jax.nn.relu(batch_query_rel_embs @ relmlp_W1 + relmlp_b1)
    b_time_weight = jax.nn.sigmoid(h @ relmlp_W2 + relmlp_b2)  # [B, 1]
    # rule scores: cosine(query_emb, LSTM(body_embs)[-1])
    query_rules = rule_matrix[:, 0]
    body_rules = rule_matrix[:, 1:]
    query_embs = rel_embedding[query_rules]          # [N_rules, D]
    body_embs = rel_embedding[body_rules]            # [N_rules, 3, D]
    body_out = _lstm_last(body_embs, lstm_W_ih, lstm_W_hh, lstm_b)
    eps = 1e-08
    qn = jnp.maximum(jnp.linalg.norm(query_embs, axis=1), eps)
    bn = jnp.maximum(jnp.linalg.norm(body_out, axis=1), eps)
    rule_scores = (jnp.sum(query_embs * body_out, axis=1) / (qn * bn))[:, None]  # [N_rules, 1]
    # sparse (batch, ent, rule) incidence -> segment reductions over (batch*ent)
    seg = nnz_batch_ids.astype(jnp.int32) * ENT_NUM + nnz_ent_ids.astype(jnp.int32)
    time_vals = jnp.exp(-0.1 * nnz_time_delta)
    rule_time_scores = jax.ops.segment_sum(time_vals, seg, num_segments=B * ENT_NUM).reshape(B, ENT_NUM)
    ent_vals = rule_scores[:, 0][nnz_rule_ids]
    ent_scores = jax.ops.segment_sum(ent_vals, seg, num_segments=B * ENT_NUM).reshape(B, ENT_NUM)
    # F.softmax default dim for 2D is dim=1
    rule_time_scores = jax.nn.softmax(rule_time_scores, axis=1)
    ent_scores = jax.nn.softmax(ent_scores, axis=1)
    combine_score = (1.0 - b_time_weight) * ent_scores + b_time_weight * rule_time_scores
    return combine_score, rule_scores

if __name__ == "__main__":
    import jax
    _d = setup_inputs()
    print(jax.jit(kernel)(*tuple(_d.values())))

</pallas_src>

<mosaic_0001>
#map = affine_map<(d0, d1) -> (0)>
#map1 = affine_map<(d0, d1) -> (0, 0)>
module attributes {stable_mosaic.version = 14 : i64} {
  func.func @_sc_body(%arg0: i32, %arg1: i32, %arg2: memref<1600000xi32, #tpu.memory_space<hbm>>, %arg3: memref<1600000xi32, #tpu.memory_space<hbm>>, %arg4: memref<1600000xf32, #tpu.memory_space<hbm>>, %arg5: memref<10000xf32, #tpu.memory_space<hbm>>, %arg6: memref<32x128xi32, #tpu.memory_space<hbm>>, %arg7: memref<32x50176xf32, #tpu.memory_space<hbm>>, %arg8: memref<32x50176xf32, #tpu.memory_space<hbm>>, %arg9: memref<2048xi32, #tpu.memory_space<vmem>>, %arg10: memref<2048xi32, #tpu.memory_space<vmem>>, %arg11: memref<2048xf32, #tpu.memory_space<vmem>>, %arg12: memref<10000xf32, #tpu.memory_space<vmem>>, %arg13: memref<128xi32, #tpu.memory_space<vmem>>, %arg14: memref<50176xf32, #tpu.memory_space<vmem>>, %arg15: memref<50176xf32, #tpu.memory_space<vmem>>) attributes {dimension_semantics = [#tpu.dimension_semantics<core_parallel>, #tpu.dimension_semantics<subcore_parallel>], iteration_bounds = array<i64: 2, 16>, scalar_prefetch = 0 : i64, scratch_operands = 7 : i64, tpu.core_type = #tpu.core_type<sc_vector_subcore>, window_params = [{transform_indices = #map}, {transform_indices = #map}, {transform_indices = #map}, {transform_indices = #map}, {transform_indices = #map1}, {transform_indices = #map1}, {transform_indices = #map1}]} {
    %mul3A = arith.constant 2 : i32
    %mul3A_0 = arith.muli %arg1, %mul3A : i32
    %add3A = arith.addi %mul3A_0, %arg0 : i32
    %broadcast_in_dim3A = arith.constant 0.000000e+00 : f32
    %broadcast_in_dim3A_1 = vector.broadcast %broadcast_in_dim3A : f32 to vector<16xf32>
    %scan3A = arith.constant 0 : i32
    %scan3A_2 = arith.constant 0 : i32
    %scan3A_3 = arith.constant 3136 : i32
    %scan3A_4 = arith.addi %scan3A_2, %scan3A_3 : i32
    %scan3A_5 = arith.constant 1 : i32
    scf.for %scan3A_25 = %scan3A_2 to %scan3A_4 step %scan3A_5  : i32 {
      %mul3A_26 = arith.constant 16 : i32
      %mul3A_27 = arith.muli %scan3A_25, %mul3A_26 : i32
      %swap3A = arith.index_cast %mul3A_27 : i32 to index
      %swap3A_28 = tpu.vector_load %arg14[%swap3A] {strides = array<i32>} : memref<50176xf32, #tpu.memory_space<vmem>>, vector<16xf32>,
      tpu.vector_store %arg14[%swap3A], %broadcast_in_dim3A_1 {strides = array<i32>} : memref<50176xf32, #tpu.memory_space<vmem>>, vector<16xf32>,
      %mul3A_29 = arith.constant 16 : i32
      %mul3A_30 = arith.muli %scan3A_25, %mul3A_29 : i32
      %swap3A_31 = arith.index_cast %mul3A_30 : i32 to index
      %swap3A_32 = tpu.vector_load %arg15[%swap3A_31] {strides = array<i32>} : memref<50176xf32, #tpu.memory_space<vmem>>, vector<16xf32>,
      tpu.vector_store %arg15[%swap3A_31], %broadcast_in_dim3A_1 {strides = array<i32>} : memref<50176xf32, #tpu.memory_space<vmem>>, vector<16xf32>,
    }
    %scan3A_6 = arith.constant 3136 : i32
    "tpu.region"() ({
      %run_scoped3A = tpu.sem_alloc : memref<!tpu.dma_semaphore, #tpu.memory_space<semaphore_mem>>
      tpu.enqueue_dma source(%arg5 : memref<10000xf32, #tpu.memory_space<hbm>>) target(%arg12 : memref<10000xf32, #tpu.memory_space<vmem>>) target_semaphore(%run_scoped3A : memref<!tpu.dma_semaphore, #tpu.memory_space<semaphore_mem>>)
      tpu.wait_dma2 semaphore(%run_scoped3A : memref<!tpu.dma_semaphore, #tpu.memory_space<semaphore_mem>>) src(%arg5 : memref<10000xf32, #tpu.memory_space<hbm>>) dst(%arg12 : memref<10000xf32, #tpu.memory_space<vmem>>)
      tpu.yield
    }) : () -> ()
    "tpu.region"() ({
      %run_scoped3A = tpu.sem_alloc : memref<!tpu.dma_semaphore, #tpu.memory_space<semaphore_mem>>
      %dma_start3A = arith.constant 0 : i32
      %dma_start3A_25 = tpu.memref_slice %arg6[%add3A, %dma_start3A] : memref<32x128xi32, #tpu.memory_space<hbm>> -> memref<1x128xi32, #tpu.memory_space<hbm>>
      %dma_start3A_26 = tpu.memref_squeeze %dma_start3A_25 : memref<1x128xi32, #tpu.memory_space<hbm>> -> memref<128xi32, #tpu.memory_space<hbm>>
      %dma_start3A_27 = arith.constant 0 : i32
      %dma_start3A_28 = tpu.memref_slice %arg6[%add3A, %dma_start3A_27] : memref<32x128xi32, #tpu.memory_space<hbm>> -> memref<1x128xi32, #tpu.memory_space<hbm>>
      %dma_start3A_29 = tpu.memref_squeeze %dma_start3A_28 : memref<1x128xi32, #tpu.memory_space<hbm>> -> memref<128xi32, #tpu.memory_space<hbm>>
      tpu.enqueue_dma source(%dma_start3A_29 : memref<128xi32, #tpu.memory_space<hbm>>) target(%arg13 : memref<128xi32, #tpu.memory_space<vmem>>) target_semaphore(%run_scoped3A : memref<!tpu.dma_semaphore, #tpu.memory_space<semaphore_mem>>)
      %dma_wait3A = arith.constant 0 : i32
      %dma_wait3A_30 = tpu.memref_slice %arg6[%add3A, %dma_wait3A] : memref<32x128xi32, #tpu.memory_space<hbm>> -> memref<1x128xi32, #tpu.memory_space<hbm>>
      %dma_wait3A_31 = tpu.memref_squeeze %dma_wait3A_30 : memref<1x128xi32, #tpu.memory_space<hbm>> -> memref<128xi32, #tpu.memory_space<hbm>>
      %dma_wait3A_32 = arith.constant 0 : i32
      %dma_wait3A_33 = tpu.memref_slice %arg6[%add3A, %dma_wait3A_32] : memref<32x128xi32, #tpu.memory_space<hbm>> -> memref<1x128xi32, #tpu.memory_space<hbm>>
      %dma_wait3A_34 = tpu.memref_squeeze %dma_wait3A_33 : memref<1x128xi32, #tpu.memory_space<hbm>> -> memref<128xi32, #tpu.memory_space<hbm>>
      tpu.wait_dma2 semaphore(%run_scoped3A : memref<!tpu.dma_semaphore, #tpu.memory_space<semaphore_mem>>) src(%dma_wait3A_34 : memref<128xi32, #tpu.memory_space<hbm>>) dst(%arg13 : memref<128xi32, #tpu.memory_space<vmem>>)
      tpu.yield
    }) : () -> ()
    %get3A = arith.constant 0 : index
    %get3A_7 = tpu.vector_load %arg13[%get3A] {strides = array<i32>} : memref<128xi32, #tpu.memory_space<vmem>>, vector<16xi32>,
    %slice3A = vector.extract_strided_slice %get3A_7 {offsets = [0], sizes = [1], strides = [1]} : vector<16xi32> to vector<1xi32>
    %squeeze3A = vector.extract %slice3A[0] : i32 from vector<1xi32>
    %slice3A_8 = vector.extract_strided_slice %get3A_7 {offsets = [1], sizes = [1], strides = [1]} : vector<16xi32> to vector<1xi32>
    %squeeze3A_9 = vector.extract %slice3A_8[0] : i32 from vector<1xi32>
    %slice3A_10 = vector.extract_strided_slice %get3A_7 {offsets = [2], sizes = [1], strides = [1]} : vector<16xi32> to vector<1xi32>
    %squeeze3A_11 = vector.extract %slice3A_10[0] : i32 from vector<1xi32>
    %broadcast_in_dim3A_12 = vector.broadcast %squeeze3A_11 : i32 to vector<16xi32>
    %slice3A_13 = vector.extract_strided_slice %get3A_7 {offsets = [3], sizes = [1], strides = [1]} : vector<16xi32> to vector<1xi32>
    %squeeze3A_14 = vector.extract %slice3A_13[0] : i32 from vector<1xi32>
    %broadcast_in_dim3A_15 = vector.broadcast %squeeze3A_14 : i32 to vector<16xi32>
    %iota3A = tpu.iota {dimensions = array<i32: 0>} : vector<16xi32>
    %while3A = arith.constant 0 : i32
    %while3A_16 = arith.constant 0 : i32
    %while3A_17 = arith.subi %squeeze3A_9, %while3A_16 : i32
    %while3A_18 = arith.addi %while3A_16, %while3A_17 : i32
    %while3A_19 = arith.constant 1 : i32
    %while3A_20 = arith.divsi %while3A_17, %while3A_19 : i32
    %while3A_21 = arith.muli %while3A_20, %while3A_19 : i32
    %while3A_22 = arith.addi %while3A_16, %while3A_21 : i32
    %while3A_23 = arith.constant 1 : i32
    scf.for %while3A_25 = %while3A_16 to %while3A_22 step %while3A_23  : i32 {
      %mul3A_26 = arith.constant 2048 : i32
      %mul3A_27 = arith.muli %while3A_25, %mul3A_26 : i32
      %add3A_28 = arith.addi %squeeze3A, %mul3A_27 : i32
      %min3A = arith.constant 1597952 : i32
      %min3A_29 = arith.minsi %add3A_28, %min3A : i32
      %multiple_of3A = tpu.assume_multiple %min3A_29, 16 : i32
      "tpu.region"() ({
        %run_scoped3A = tpu.sem_alloc : memref<!tpu.dma_semaphore, #tpu.memory_space<semaphore_mem>>
        %dma_start3A = tpu.memref_slice %arg2[%multiple_of3A] : memref<1600000xi32, #tpu.memory_space<hbm>> -> memref<2048xi32, #tpu.memory_space<hbm>>
        %dma_start3A_39 = tpu.memref_slice %arg2[%multiple_of3A] : memref<1600000xi32, #tpu.memory_space<hbm>> -> memref<2048xi32, #tpu.memory_space<hbm>>
        tpu.enqueue_dma source(%dma_start3A_39 : memref<2048xi32, #tpu.memory_space<hbm>>) target(%arg9 : memref<2048xi32, #tpu.memory_space<vmem>>) target_semaphore(%run_scoped3A : memref<!tpu.dma_semaphore, #tpu.memory_space<semaphore_mem>>)
        %dma_wait3A = tpu.memref_slice %arg2[%multiple_of3A] : memref<1600000xi32, #tpu.memory_space<hbm>> -> memref<2048xi32, #tpu.memory_space<hbm>>
        %dma_wait3A_40 = tpu.memref_slice %arg2[%multiple_of3A] : memref<1600000xi32, #tpu.memory_space<hbm>> -> memref<2048xi32, #tpu.memory_space<hbm>>
        tpu.wait_dma2 semaphore(%run_scoped3A : memref<!tpu.dma_semaphore, #tpu.memory_space<semaphore_mem>>) src(%dma_wait3A_40 : memref<2048xi32, #tpu.memory_space<hbm>>) dst(%arg9 : memref<2048xi32, #tpu.memory_space<vmem>>)
        tpu.yield
      }) : () -> ()
      "tpu.region"() ({
        %run_scoped3A = tpu.sem_alloc : memref<!tpu.dma_semaphore, #tpu.memory_space<semaphore_mem>>
        %dma_start3A = tpu.memref_slice %arg3[%multiple_of3A] : memref<1600000xi32, #tpu.memory_space<hbm>> -> memref<2048xi32, #tpu.memory_space<hbm>>
        %dma_start3A_39 = tpu.memref_slice %arg3[%multiple_of3A] : memref<1600000xi32, #tpu.memory_space<hbm>> -> memref<2048xi32, #tpu.memory_space<hbm>>
        tpu.enqueue_dma source(%dma_start3A_39 : memref<2048xi32, #tpu.memory_space<hbm>>) target(%arg10 : memref<2048xi32, #tpu.memory_space<vmem>>) target_semaphore(%run_scoped3A : memref<!tpu.dma_semaphore, #tpu.memory_space<semaphore_mem>>)
        %dma_wait3A = tpu.memref_slice %arg3[%multiple_of3A] : memref<1600000xi32, #tpu.memory_space<hbm>> -> memref<2048xi32, #tpu.memory_space<hbm>>
        %dma_wait3A_40 = tpu.memref_slice %arg3[%multiple_of3A] : memref<1600000xi32, #tpu.memory_space<hbm>> -> memref<2048xi32, #tpu.memory_space<hbm>>
        tpu.wait_dma2 semaphore(%run_scoped3A : memref<!tpu.dma_semaphore, #tpu.memory_space<semaphore_mem>>) src(%dma_wait3A_40 : memref<2048xi32, #tpu.memory_space<hbm>>) dst(%arg10 : memref<2048xi32, #tpu.memory_space<vmem>>)
        tpu.yield
      }) : () -> ()
      "tpu.region"() ({
        %run_scoped3A = tpu.sem_alloc : memref<!tpu.dma_semaphore, #tpu.memory_space<semaphore_mem>>
        %dma_start3A = tpu.memref_slice %arg4[%multiple_of3A] : memref<1600000xf32, #tpu.memory_space<hbm>> -> memref<2048xf32, #tpu.memory_space<hbm>>
        %dma_start3A_39 = tpu.memref_slice %arg4[%multiple_of3A] : memref<1600000xf32, #tpu.memory_space<hbm>> -> memref<2048xf32, #tpu.memory_space<hbm>>
        tpu.enqueue_dma source(%dma_start3A_39 : memref<2048xf32, #tpu.memory_space<hbm>>) target(%arg11 : memref<2048xf32, #tpu.memory_space<vmem>>) target_semaphore(%run_scoped3A : memref<!tpu.dma_semaphore, #tpu.memory_space<semaphore_mem>>)
        %dma_wait3A = tpu.memref_slice %arg4[%multiple_of3A] : memref<1600000xf32, #tpu.memory_space<hbm>> -> memref<2048xf32, #tpu.memory_space<hbm>>
        %dma_wait3A_40 = tpu.memref_slice %arg4[%multiple_of3A] : memref<1600000xf32, #tpu.memory_space<hbm>> -> memref<2048xf32, #tpu.memory_space<hbm>>
        tpu.wait_dma2 semaphore(%run_scoped3A : memref<!tpu.dma_semaphore, #tpu.memory_space<semaphore_mem>>) src(%dma_wait3A_40 : memref<2048xf32, #tpu.memory_space<hbm>>) dst(%arg11 : memref<2048xf32, #tpu.memory_space<vmem>>)
        tpu.yield
      }) : () -> ()
      %broadcast_in_dim3A_30 = vector.broadcast %add3A_28 : i32 to vector<16xi32>
      %max3A = arith.maxsi %broadcast_in_dim3A_12, %broadcast_in_dim3A_30 : vector<16xi32>
      %broadcast_in_dim3A_31 = vector.broadcast %multiple_of3A : i32 to vector<16xi32>
      %add3A_32 = arith.addi %broadcast_in_dim3A_31, %iota3A : vector<16xi32>
      %scan3A_33 = arith.constant 0 : i32
      %scan3A_34 = arith.constant 128 : i32
      %scan3A_35 = arith.addi %scan3A_33, %scan3A_34 : i32
      %scan3A_36 = arith.constant 1 : i32
      %scan3A_37 = scf.for %scan3A_39 = %scan3A_33 to %scan3A_35 step %scan3A_36 iter_args(%scan3A_40 = %add3A_32) -> (vector<16xi32>)  : i32 {
        %mul3A_41 = arith.constant 16 : i32
        %mul3A_42 = arith.muli %scan3A_39, %mul3A_41 : i32
        %get3A_43 = arith.index_cast %mul3A_42 : i32 to index
        %get3A_44 = tpu.vector_load %arg9[%get3A_43] {strides = array<i32>} : memref<2048xi32, #tpu.memory_space<vmem>>, vector<16xi32>,
        %mul3A_45 = arith.constant 16 : i32
        %mul3A_46 = arith.muli %scan3A_39, %mul3A_45 : i32
        %get3A_47 = arith.index_cast %mul3A_46 : i32 to index
        %get3A_48 = tpu.vector_load %arg10[%get3A_47] {strides = array<i32>} : memref<2048xi32, #tpu.memory_space<vmem>>, vector<16xi32>,
        %mul3A_49 = arith.constant 16 : i32
        %mul3A_50 = arith.muli %scan3A_39, %mul3A_49 : i32
        %get3A_51 = arith.index_cast %mul3A_50 : i32 to index
        %get3A_52 = tpu.vector_load %arg11[%get3A_51] {strides = array<i32>} : memref<2048xf32, #tpu.memory_space<vmem>>, vector<16xf32>,
        %ge3A = arith.cmpi sge, %scan3A_40, %max3A : vector<16xi32>
        %lt3A = arith.cmpi slt, %scan3A_40, %broadcast_in_dim3A_15 : vector<16xi32>
        %and3A = arith.andi %ge3A, %lt3A : vector<16xi1>
        %mul3A_53 = arith.constant -1.000000e-01 : f32
        %mul3A_54 = vector.broadcast %mul3A_53 : f32 to vector<16xf32>
        %mul3A_55 = arith.mulf %get3A_52, %mul3A_54 : vector<16xf32>
        %exp3A = math.exp %mul3A_55 : vector<16xf32>
        tpu.vector_store_idx %arg14[%get3A_44], %exp3A masked %and3A {add = true} : memref<50176xf32, #tpu.memory_space<vmem>>[vector<16xi32>], vector<16xf32>, vector<16xi1>
        %gather3A = tpu.vector_load_idx %arg12[%get3A_48] masked %and3A : memref<10000xf32, #tpu.memory_space<vmem>>[vector<16xi32>], vector<16xf32>, vector<16xi1>
        tpu.vector_store_idx %arg15[%get3A_44], %gather3A masked %and3A {add = true} : memref<50176xf32, #tpu.memory_space<vmem>>[vector<16xi32>], vector<16xf32>, vector<16xi1>
        %add3A_56 = arith.constant 16 : i32
        %add3A_57 = vector.broadcast %add3A_56 : i32 to vector<16xi32>
        %add3A_58 = arith.addi %scan3A_40, %add3A_57 : vector<16xi32>
        scf.yield %add3A_58 : vector<16xi32>
      }
      %scan3A_38 = arith.constant 128 : i32
    }
    %while3A_24 = arith.constant 1 : i32
    scf.for %while3A_25 = %while3A_22 to %while3A_18 step %while3A_24  : i32 {
      %mul3A_26 = arith.constant 2048 : i32
      %mul3A_27 = arith.muli %while3A_25, %mul3A_26 : i32
      %add3A_28 = arith.addi %squeeze3A, %mul3A_27 : i32
      %min3A = arith.constant 1597952 : i32
      %min3A_29 = arith.minsi %add3A_28, %min3A : i32
      %multiple_of3A = tpu.assume_multiple %min3A_29, 16 : i32
      "tpu.region"() ({
        %run_scoped3A = tpu.sem_alloc : memref<!tpu.dma_semaphore, #tpu.memory_space<semaphore_mem>>
        %dma_start3A = tpu.memref_slice %arg2[%multiple_of3A] : memref<1600000xi32, #tpu.memory_space<hbm>> -> memref<2048xi32, #tpu.memory_space<hbm>>
        %dma_start3A_39 = tpu.memref_slice %arg2[%multiple_of3A] : memref<1600000xi32, #tpu.memory_space<hbm>> -> memref<2048xi32, #tpu.memory_space<hbm>>
        tpu.enqueue_dma source(%dma_start3A_39 : memref<2048xi32, #tpu.memory_space<hbm>>) target(%arg9 : memref<2048xi32, #tpu.memory_space<vmem>>) target_semaphore(%run_scoped3A : memref<!tpu.dma_semaphore, #tpu.memory_space<semaphore_mem>>)
        %dma_wait3A = tpu.memref_slice %arg2[%multiple_of3A] : memref<1600000xi32, #tpu.memory_space<hbm>> -> memref<2048xi32, #tpu.memory_space<hbm>>
        %dma_wait3A_40 = tpu.memref_slice %arg2[%multiple_of3A] : memref<1600000xi32, #tpu.memory_space<hbm>> -> memref<2048xi32, #tpu.memory_space<hbm>>
        tpu.wait_dma2 semaphore(%run_scoped3A : memref<!tpu.dma_semaphore, #tpu.memory_space<semaphore_mem>>) src(%dma_wait3A_40 : memref<2048xi32, #tpu.memory_space<hbm>>) dst(%arg9 : memref<2048xi32, #tpu.memory_space<vmem>>)
        tpu.yield
      }) : () -> ()
      "tpu.region"() ({
        %run_scoped3A = tpu.sem_alloc : memref<!tpu.dma_semaphore, #tpu.memory_space<semaphore_mem>>
        %dma_start3A = tpu.memref_slice %arg3[%multiple_of3A] : memref<1600000xi32, #tpu.memory_space<hbm>> -> memref<2048xi32, #tpu.memory_space<hbm>>
        %dma_start3A_39 = tpu.memref_slice %arg3[%multiple_of3A] : memref<1600000xi32, #tpu.memory_space<hbm>> -> memref<2048xi32, #tpu.memory_space<hbm>>
        tpu.enqueue_dma source(%dma_start3A_39 : memref<2048xi32, #tpu.memory_space<hbm>>) target(%arg10 : memref<2048xi32, #tpu.memory_space<vmem>>) target_semaphore(%run_scoped3A : memref<!tpu.dma_semaphore, #tpu.memory_space<semaphore_mem>>)
        %dma_wait3A = tpu.memref_slice %arg3[%multiple_of3A] : memref<1600000xi32, #tpu.memory_space<hbm>> -> memref<2048xi32, #tpu.memory_space<hbm>>
        %dma_wait3A_40 = tpu.memref_slice %arg3[%multiple_of3A] : memref<1600000xi32, #tpu.memory_space<hbm>> -> memref<2048xi32, #tpu.memory_space<hbm>>
        tpu.wait_dma2 semaphore(%run_scoped3A : memref<!tpu.dma_semaphore, #tpu.memory_space<semaphore_mem>>) src(%dma_wait3A_40 : memref<2048xi32, #tpu.memory_space<hbm>>) dst(%arg10 : memref<2048xi32, #tpu.memory_space<vmem>>)
        tpu.yield
      }) : () -> ()
      "tpu.region"() ({
        %run_scoped3A = tpu.sem_alloc : memref<!tpu.dma_semaphore, #tpu.memory_space<semaphore_mem>>
        %dma_start3A = tpu.memref_slice %arg4[%multiple_of3A] : memref<1600000xf32, #tpu.memory_space<hbm>> -> memref<2048xf32, #tpu.memory_space<hbm>>
        %dma_start3A_39 = tpu.memref_slice %arg4[%multiple_of3A] : memref<1600000xf32, #tpu.memory_space<hbm>> -> memref<2048xf32, #tpu.memory_space<hbm>>
        tpu.enqueue_dma source(%dma_start3A_39 : memref<2048xf32, #tpu.memory_space<hbm>>) target(%arg11 : memref<2048xf32, #tpu.memory_space<vmem>>) target_semaphore(%run_scoped3A : memref<!tpu.dma_semaphore, #tpu.memory_space<semaphore_mem>>)
        %dma_wait3A = tpu.memref_slice %arg4[%multiple_of3A] : memref<1600000xf32, #tpu.memory_space<hbm>> -> memref<2048xf32, #tpu.memory_space<hbm>>
        %dma_wait3A_40 = tpu.memref_slice %arg4[%multiple_of3A] : memref<1600000xf32, #tpu.memory_space<hbm>> -> memref<2048xf32, #tpu.memory_space<hbm>>
        tpu.wait_dma2 semaphore(%run_scoped3A : memref<!tpu.dma_semaphore, #tpu.memory_space<semaphore_mem>>) src(%dma_wait3A_40 : memref<2048xf32, #tpu.memory_space<hbm>>) dst(%arg11 : memref<2048xf32, #tpu.memory_space<vmem>>)
        tpu.yield
      }) : () -> ()
      %broadcast_in_dim3A_30 = vector.broadcast %add3A_28 : i32 to vector<16xi32>
      %max3A = arith.maxsi %broadcast_in_dim3A_12, %broadcast_in_dim3A_30 : vector<16xi32>
      %broadcast_in_dim3A_31 = vector.broadcast %multiple_of3A : i32 to vector<16xi32>
      %add3A_32 = arith.addi %broadcast_in_dim3A_31, %iota3A : vector<16xi32>
      %scan3A_33 = arith.constant 0 : i32
      %scan3A_34 = arith.constant 128 : i32
      %scan3A_35 = arith.addi %scan3A_33, %scan3A_34 : i32
      %scan3A_36 = arith.constant 1 : i32
      %scan3A_37 = scf.for %scan3A_39 = %scan3A_33 to %scan3A_35 step %scan3A_36 iter_args(%scan3A_40 = %add3A_32) -> (vector<16xi32>)  : i32 {
        %mul3A_41 = arith.constant 16 : i32
        %mul3A_42 = arith.muli %scan3A_39, %mul3A_41 : i32
        %get3A_43 = arith.index_cast %mul3A_42 : i32 to index
        %get3A_44 = tpu.vector_load %arg9[%get3A_43] {strides = array<i32>} : memref<2048xi32, #tpu.memory_space<vmem>>, vector<16xi32>,
        %mul3A_45 = arith.constant 16 : i32
        %mul3A_46 = arith.muli %scan3A_39, %mul3A_45 : i32
        %get3A_47 = arith.index_cast %mul3A_46 : i32 to index
        %get3A_48 = tpu.vector_load %arg10[%get3A_47] {strides = array<i32>} : memref<2048xi32, #tpu.memory_space<vmem>>, vector<16xi32>,
        %mul3A_49 = arith.constant 16 : i32
        %mul3A_50 = arith.muli %scan3A_39, %mul3A_49 : i32
        %get3A_51 = arith.index_cast %mul3A_50 : i32 to index
        %get3A_52 = tpu.vector_load %arg11[%get3A_51] {strides = array<i32>} : memref<2048xf32, #tpu.memory_space<vmem>>, vector<16xf32>,
        %ge3A = arith.cmpi sge, %scan3A_40, %max3A : vector<16xi32>
        %lt3A = arith.cmpi slt, %scan3A_40, %broadcast_in_dim3A_15 : vector<16xi32>
        %and3A = arith.andi %ge3A, %lt3A : vector<16xi1>
        %mul3A_53 = arith.constant -1.000000e-01 : f32
        %mul3A_54 = vector.broadcast %mul3A_53 : f32 to vector<16xf32>
        %mul3A_55 = arith.mulf %get3A_52, %mul3A_54 : vector<16xf32>
        %exp3A = math.exp %mul3A_55 : vector<16xf32>
        tpu.vector_store_idx %arg14[%get3A_44], %exp3A masked %and3A {add = true} : memref<50176xf32, #tpu.memory_space<vmem>>[vector<16xi32>], vector<16xf32>, vector<16xi1>
        %gather3A = tpu.vector_load_idx %arg12[%get3A_48] masked %and3A : memref<10000xf32, #tpu.memory_space<vmem>>[vector<16xi32>], vector<16xf32>, vector<16xi1>
        tpu.vector_store_idx %arg15[%get3A_44], %gather3A masked %and3A {add = true} : memref<50176xf32, #tpu.memory_space<vmem>>[vector<16xi32>], vector<16xf32>, vector<16xi1>
        %add3A_56 = arith.constant 16 : i32
        %add3A_57 = vector.broadcast %add3A_56 : i32 to vector<16xi32>
        %add3A_58 = arith.addi %scan3A_40, %add3A_57 : vector<16xi32>
        scf.yield %add3A_58 : vector<16xi32>
      }
      %scan3A_38 = arith.constant 128 : i32
    }
    "tpu.region"() ({
      %run_scoped3A = tpu.sem_alloc : memref<!tpu.dma_semaphore, #tpu.memory_space<semaphore_mem>>
      %dma_start3A = arith.constant 0 : i32
      %dma_start3A_25 = tpu.memref_slice %arg7[%add3A, %dma_start3A] : memref<32x50176xf32, #tpu.memory_space<hbm>> -> memref<1x50176xf32, #tpu.memory_space<hbm>>
      %dma_start3A_26 = tpu.memref_squeeze %dma_start3A_25 : memref<1x50176xf32, #tpu.memory_space<hbm>> -> memref<50176xf32, #tpu.memory_space<hbm>>
      %dma_start3A_27 = arith.constant 0 : i32
      %dma_start3A_28 = tpu.memref_slice %arg7[%add3A, %dma_start3A_27] : memref<32x50176xf32, #tpu.memory_space<hbm>> -> memref<1x50176xf32, #tpu.memory_space<hbm>>
      %dma_start3A_29 = tpu.memref_squeeze %dma_start3A_28 : memref<1x50176xf32, #tpu.memory_space<hbm>> -> memref<50176xf32, #tpu.memory_space<hbm>>
      tpu.enqueue_dma source(%arg14 : memref<50176xf32, #tpu.memory_space<vmem>>) target(%dma_start3A_29 : memref<50176xf32, #tpu.memory_space<hbm>>) target_semaphore(%run_scoped3A : memref<!tpu.dma_semaphore, #tpu.memory_space<semaphore_mem>>)
      %dma_wait3A = arith.constant 0 : i32
      %dma_wait3A_30 = tpu.memref_slice %arg7[%add3A, %dma_wait3A] : memref<32x50176xf32, #tpu.memory_space<hbm>> -> memref<1x50176xf32, #tpu.memory_space<hbm>>
      %dma_wait3A_31 = tpu.memref_squeeze %dma_wait3A_30 : memref<1x50176xf32, #tpu.memory_space<hbm>> -> memref<50176xf32, #tpu.memory_space<hbm>>
      %dma_wait3A_32 = arith.constant 0 : i32
      %dma_wait3A_33 = tpu.memref_slice %arg7[%add3A, %dma_wait3A_32] : memref<32x50176xf32, #tpu.memory_space<hbm>> -> memref<1x50176xf32, #tpu.memory_space<hbm>>
      %dma_wait3A_34 = tpu.memref_squeeze %dma_wait3A_33 : memref<1x50176xf32, #tpu.memory_space<hbm>> -> memref<50176xf32, #tpu.memory_space<hbm>>
      tpu.wait_dma2 semaphore(%run_scoped3A : memref<!tpu.dma_semaphore, #tpu.memory_space<semaphore_mem>>) src(%arg14 : memref<50176xf32, #tpu.memory_space<vmem>>) dst(%dma_wait3A_34 : memref<50176xf32, #tpu.memory_space<hbm>>)
      tpu.yield
    }) : () -> ()
    "tpu.region"() ({
      %run_scoped3A = tpu.sem_alloc : memref<!tpu.dma_semaphore, #tpu.memory_space<semaphore_mem>>
      %dma_start3A = arith.constant 0 : i32
      %dma_start3A_25 = tpu.memref_slice %arg8[%add3A, %dma_start3A] : memref<32x50176xf32, #tpu.memory_space<hbm>> -> memref<1x50176xf32, #tpu.memory_space<hbm>>
      %dma_start3A_26 = tpu.memref_squeeze %dma_start3A_25 : memref<1x50176xf32, #tpu.memory_space<hbm>> -> memref<50176xf32, #tpu.memory_space<hbm>>
      %dma_start3A_27 = arith.constant 0 : i32
      %dma_start3A_28 = tpu.memref_slice %arg8[%add3A, %dma_start3A_27] : memref<32x50176xf32, #tpu.memory_space<hbm>> -> memref<1x50176xf32, #tpu.memory_space<hbm>>
      %dma_start3A_29 = tpu.memref_squeeze %dma_start3A_28 : memref<1x50176xf32, #tpu.memory_space<hbm>> -> memref<50176xf32, #tpu.memory_space<hbm>>
      tpu.enqueue_dma source(%arg15 : memref<50176xf32, #tpu.memory_space<vmem>>) target(%dma_start3A_29 : memref<50176xf32, #tpu.memory_space<hbm>>) target_semaphore(%run_scoped3A : memref<!tpu.dma_semaphore, #tpu.memory_space<semaphore_mem>>)
      %dma_wait3A = arith.constant 0 : i32
      %dma_wait3A_30 = tpu.memref_slice %arg8[%add3A, %dma_wait3A] : memref<32x50176xf32, #tpu.memory_space<hbm>> -> memref<1x50176xf32, #tpu.memory_space<hbm>>
      %dma_wait3A_31 = tpu.memref_squeeze %dma_wait3A_30 : memref<1x50176xf32, #tpu.memory_space<hbm>> -> memref<50176xf32, #tpu.memory_space<hbm>>
      %dma_wait3A_32 = arith.constant 0 : i32
      %dma_wait3A_33 = tpu.memref_slice %arg8[%add3A, %dma_wait3A_32] : memref<32x50176xf32, #tpu.memory_space<hbm>> -> memref<1x50176xf32, #tpu.memory_space<hbm>>
      %dma_wait3A_34 = tpu.memref_squeeze %dma_wait3A_33 : memref<1x50176xf32, #tpu.memory_space<hbm>> -> memref<50176xf32, #tpu.memory_space<hbm>>
      tpu.wait_dma2 semaphore(%run_scoped3A : memref<!tpu.dma_semaphore, #tpu.memory_space<semaphore_mem>>) src(%arg15 : memref<50176xf32, #tpu.memory_space<vmem>>) dst(%dma_wait3A_34 : memref<50176xf32, #tpu.memory_space<hbm>>)
      tpu.yield
    }) : () -> ()
    return
  }
}

module attributes {stable_mosaic.version = 14 : i64} {
  func.func @_proj_body(%arg0: memref<512x4096xf32, #tpu.memory_space<vmem>>, %arg1: memref<4096x128xf32, #tpu.memory_space<vmem>>, %arg2: memref<1x128xf32, #tpu.memory_space<vmem>>, %arg3: memref<16x1xi32, #tpu.memory_space<vmem>>, %arg4: memref<128x128xf32, #tpu.memory_space<vmem>>, %arg5: memref<1x128xf32, #tpu.memory_space<vmem>>, %arg6: memref<128x1xf32, #tpu.memory_space<vmem>>, %arg7: memref<1x1xf32, #tpu.memory_space<vmem>>, %arg8: memref<512x128xf32, #tpu.memory_space<vmem>>, %arg9: memref<16x1xf32, #tpu.memory_space<vmem>>) attributes {dimension_semantics = [], scalar_prefetch = 0 : i64, scratch_operands = 0 : i64, tpu.core_type = #tpu.core_type<tc>} {
    %get3A = arith.constant 0 : index
    %get3A_0 = arith.constant 0 : index
    %get3A_1 = vector.load %arg0[%get3A, %get3A_0] : memref<512x4096xf32, #tpu.memory_space<vmem>>, vector<512x4096xf32>
    %get3A_2 = arith.constant 0 : index
    %get3A_3 = arith.constant 0 : index
    %get3A_4 = vector.load %arg1[%get3A_2, %get3A_3] : memref<4096x128xf32, #tpu.memory_space<vmem>>, vector<4096x128xf32>
    %dot_general3A = arith.constant dense<0.000000e+00> : vector<512x128xf32>
    %dot_general3A_5 = tpu.matmul %get3A_1, %get3A_4, %dot_general3A {dimension_numbers = #tpu.dot_dimension_numbers<[1], [0], [0], [1], [0, 0, 1, 1], [], []>, transpose_lhs_hint = false} : vector<512x4096xf32>, vector<4096x128xf32>, vector<512x128xf32> -> vector<512x128xf32>
    %get3A_6 = arith.constant 0 : index
    %get3A_7 = arith.constant 0 : index
    %get3A_8 = vector.load %arg2[%get3A_6, %get3A_7] : memref<1x128xf32, #tpu.memory_space<vmem>>, vector<1x128xf32>
    %add3A = vector.broadcast %get3A_8 : vector<1x128xf32> to vector<512x128xf32>
    %add3A_9 = arith.addf %dot_general3A_5, %add3A : vector<512x128xf32>
    %iota3A = tpu.iota {dimensions = array<i32: 0>} : vector<512x1xi32>
    %lt3A = arith.constant 500 : i32
    %lt3A_10 = vector.broadcast %lt3A : i32 to vector<512x1xi32>
    %lt3A_11 = arith.cmpi slt, %iota3A, %lt3A_10 : vector<512x1xi32>
    %jit3A = arith.constant 0.000000e+00 : f32
    %broadcast_in_dim3A = vector.shape_cast %lt3A_11 : vector<512x1xi1> to vector<512x1xi1>
    %broadcast_in_dim3A_12 = vector.broadcast %broadcast_in_dim3A : vector<512x1xi1> to vector<512x128xi1>
    %broadcast_in_dim3A_13 = vector.broadcast %jit3A : f32 to vector<512x128xf32>
    %select_n3A = arith.select %broadcast_in_dim3A_12, %add3A_9, %broadcast_in_dim3A_13 : vector<512x128xi1>, vector<512x128xf32>
    %swap3A = arith.constant 0 : index
    %swap3A_14 = arith.constant 0 : index
    %swap3A_15 = vector.load %arg8[%swap3A, %swap3A_14] : memref<512x128xf32, #tpu.memory_space<vmem>>, vector<512x128xf32>
    tpu.vector_store %arg8[%swap3A, %swap3A_14], %select_n3A {strides = array<i32>} : memref<512x128xf32, #tpu.memory_space<vmem>>, vector<512x128xf32>,
    %iota3A_16 = tpu.iota {dimensions = array<i32: 1>} : vector<16x512xi32>
    %get3A_17 = arith.constant 0 : index
    %get3A_18 = arith.constant 0 : index
    %get3A_19 = vector.load %arg3[%get3A_17, %get3A_18] : memref<16x1xi32, #tpu.memory_space<vmem>>, vector<16x1xi32>
    %eq3A = vector.broadcast %get3A_19 : vector<16x1xi32> to vector<16x512xi32>
    %eq3A_20 = arith.cmpi eq, %iota3A_16, %eq3A : vector<16x512xi32>
    %convert_element_type3A = arith.extui %eq3A_20 : vector<16x512xi1> to vector<16x512xi32>
    %convert_element_type3A_21 = arith.sitofp %convert_element_type3A : vector<16x512xi32> to vector<16x512xf32>
    %dot_general3A_22 = arith.constant dense<0.000000e+00> : vector<16x128xf32>
    %dot_general3A_23 = tpu.matmul %convert_element_type3A_21, %select_n3A, %dot_general3A_22 {dimension_numbers = #tpu.dot_dimension_numbers<[1], [0], [0], [1], [0, 0, 1, 1], [], []>, transpose_lhs_hint = false} : vector<16x512xf32>, vector<512x128xf32>, vector<16x128xf32> -> vector<16x128xf32>
    %get3A_24 = arith.constant 0 : index
    %get3A_25 = arith.constant 0 : index
    %get3A_26 = vector.load %arg4[%get3A_24, %get3A_25] : memref<128x128xf32, #tpu.memory_space<vmem>>, vector<128x128xf32>
    %dot_general3A_27 = arith.constant dense<0.000000e+00> : vector<16x128xf32>
    %dot_general3A_28 = tpu.matmul %dot_general3A_23, %get3A_26, %dot_general3A_27 {dimension_numbers = #tpu.dot_dimension_numbers<[1], [0], [0], [1], [0, 0, 1, 1], [], []>, transpose_lhs_hint = false} : vector<16x128xf32>, vector<128x128xf32>, vector<16x128xf32> -> vector<16x128xf32>
    %get3A_29 = arith.constant 0 : index
    %get3A_30 = arith.constant 0 : index
    %get3A_31 = vector.load %arg5[%get3A_29, %get3A_30] : memref<1x128xf32, #tpu.memory_space<vmem>>, vector<1x128xf32>
    %add3A_32 = vector.broadcast %get3A_31 : vector<1x128xf32> to vector<16x128xf32>
    %add3A_33 = arith.addf %dot_general3A_28, %add3A_32 : vector<16x128xf32>
    %max3A = arith.constant 0.000000e+00 : f32
    %max3A_34 = vector.broadcast %max3A : f32 to vector<16x128xf32>
    %max3A_35 = arith.maximumf %add3A_33, %max3A_34 : vector<16x128xf32>
    %get3A_36 = arith.constant 0 : index
    %get3A_37 = arith.constant 0 : index
    %get3A_38 = vector.load %arg6[%get3A_36, %get3A_37] : memref<128x1xf32, #tpu.memory_space<vmem>>, vector<128x1xf32>
    %dot_general3A_39 = arith.constant dense<0.000000e+00> : vector<16x1xf32>
    %dot_general3A_40 = tpu.matmul %max3A_35, %get3A_38, %dot_general3A_39 {dimension_numbers = #tpu.dot_dimension_numbers<[1], [0], [0], [1], [0, 0, 1, 1], [], []>, transpose_lhs_hint = false} : vector<16x128xf32>, vector<128x1xf32>, vector<16x1xf32> -> vector<16x1xf32>
    %get3A_41 = arith.constant 0 : index
    %get3A_42 = arith.constant 0 : index
    %get3A_43 = vector.load %arg7[%get3A_41, %get3A_42] : memref<1x1xf32, #tpu.memory_space<vmem>>, vector<1x1xf32>
    %add3A_44 = vector.broadcast %get3A_43 : vector<1x1xf32> to vector<16x1xf32>
    %add3A_45 = arith.addf %dot_general3A_40, %add3A_44 : vector<16x1xf32>
    %logistic3A = arith.negf %add3A_45 : vector<16x1xf32>
    %logistic3A_46 = math.exp %logistic3A : vector<16x1xf32>
    %logistic3A_47 = arith.constant 1.000000e+00 : f32
    %logistic3A_48 = vector.broadcast %logistic3A_47 : f32 to vector<16x1xf32>
    %logistic3A_49 = arith.addf %logistic3A_48, %logistic3A_46 : vector<16x1xf32>
    %logistic3A_50 = arith.divf %logistic3A_48, %logistic3A_49 : vector<16x1xf32>
    %swap3A_51 = arith.constant 0 : index
    %swap3A_52 = arith.constant 0 : index
    %swap3A_53 = vector.load %arg9[%swap3A_51, %swap3A_52] : memref<16x1xf32, #tpu.memory_space<vmem>>, vector<16x1xf32>
    tpu.vector_store %arg9[%swap3A_51, %swap3A_52], %logistic3A_50 {strides = array<i32>} : memref<16x1xf32, #tpu.memory_space<vmem>>, vector<16x1xf32>,
    return
  }
}

module attributes {stable_mosaic.version = 14 : i64} {
  func.func @_rule_body(%arg0: i32, %arg1: memref<1000x4xi32, #tpu.memory_space<vmem>>, %arg2: memref<512x128xf32, #tpu.memory_space<vmem>>, %arg3: memref<128x512xf32, #tpu.memory_space<vmem>>, %arg4: memref<128x512xf32, #tpu.memory_space<vmem>>, %arg5: memref<1x512xf32, #tpu.memory_space<vmem>>, %arg6: memref<1000x1xf32, #tpu.memory_space<vmem>>) attributes {dimension_semantics = [#tpu.dimension_semantics<arbitrary>], iteration_bounds = array<i64: 10>, scalar_prefetch = 0 : i64, scratch_operands = 0 : i64, tpu.core_type = #tpu.core_type<tc>, window_params = [{transform_indices = @transform_0, window_bounds = array<i64: 1000, 4>}, {pipeline_mode = #tpu.pipeline_mode<synchronous>, transform_indices = @transform_1, window_bounds = array<i64: 512, 128>}, {pipeline_mode = #tpu.pipeline_mode<synchronous>, transform_indices = @transform_2, window_bounds = array<i64: 128, 512>}, {pipeline_mode = #tpu.pipeline_mode<synchronous>, transform_indices = @transform_3, window_bounds = array<i64: 128, 512>}, {pipeline_mode = #tpu.pipeline_mode<synchronous>, transform_indices = @transform_4, window_bounds = array<i64: 1, 512>}, {transform_indices = @transform_5, window_bounds = array<i64: 1000, 1>}]} {
    %get3A = arith.constant 0 : index
    %get3A_0 = arith.constant 0 : index
    %get3A_1 = vector.load %arg1[%get3A, %get3A_0] : memref<1000x4xi32, #tpu.memory_space<vmem>>, vector<1000x4xi32>
    %get3A_2 = arith.constant 0 : index
    %get3A_3 = arith.constant 0 : index
    %get3A_4 = vector.load %arg2[%get3A_2, %get3A_3] : memref<512x128xf32, #tpu.memory_space<vmem>>, vector<512x128xf32>
    %iota3A = tpu.iota {dimensions = array<i32: 1>} : vector<1000x512xi32>
    %slice3A = vector.extract_strided_slice %get3A_1 {offsets = [0, 0], sizes = [1000, 1], strides = [1, 1]} : vector<1000x4xi32> to vector<1000x1xi32>
    %eq3A = vector.broadcast %slice3A : vector<1000x1xi32> to vector<1000x512xi32>
    %eq3A_5 = arith.cmpi eq, %iota3A, %eq3A : vector<1000x512xi32>
    %convert_element_type3A = arith.extui %eq3A_5 : vector<1000x512xi1> to vector<1000x512xi32>
    %convert_element_type3A_6 = arith.sitofp %convert_element_type3A : vector<1000x512xi32> to vector<1000x512xf32>
    %dot_general3A = arith.constant dense<0.000000e+00> : vector<1000x128xf32>
    %dot_general3A_7 = tpu.matmul %convert_element_type3A_6, %get3A_4, %dot_general3A {dimension_numbers = #tpu.dot_dimension_numbers<[1], [0], [0], [1], [0, 0, 1, 1], [], []>, transpose_lhs_hint = false} : vector<1000x512xf32>, vector<512x128xf32>, vector<1000x128xf32> -> vector<1000x128xf32>
    %get3A_8 = arith.constant 0 : index
    %get3A_9 = arith.constant 0 : index
    %get3A_10 = vector.load %arg3[%get3A_8, %get3A_9] : memref<128x512xf32, #tpu.memory_space<vmem>>, vector<128x512xf32>
    %get3A_11 = arith.constant 0 : index
    %get3A_12 = arith.constant 0 : index
    %get3A_13 = vector.load %arg4[%get3A_11, %get3A_12] : memref<128x512xf32, #tpu.memory_space<vmem>>, vector<128x512xf32>
    %get3A_14 = arith.constant 0 : index
    %get3A_15 = arith.constant 0 : index
    %get3A_16 = vector.load %arg5[%get3A_14, %get3A_15] : memref<1x512xf32, #tpu.memory_space<vmem>>, vector<1x512xf32>
    %slice3A_17 = vector.extract_strided_slice %get3A_1 {offsets = [0, 1], sizes = [1000, 1], strides = [1, 1]} : vector<1000x4xi32> to vector<1000x1xi32>
    %eq3A_18 = vector.broadcast %slice3A_17 : vector<1000x1xi32> to vector<1000x512xi32>
    %eq3A_19 = arith.cmpi eq, %iota3A, %eq3A_18 : vector<1000x512xi32>
    %convert_element_type3A_20 = arith.extui %eq3A_19 : vector<1000x512xi1> to vector<1000x512xi32>
    %convert_element_type3A_21 = arith.sitofp %convert_element_type3A_20 : vector<1000x512xi32> to vector<1000x512xf32>
    %dot_general3A_22 = arith.constant dense<0.000000e+00> : vector<1000x128xf32>
    %dot_general3A_23 = tpu.matmul %convert_element_type3A_21, %get3A_4, %dot_general3A_22 {dimension_numbers = #tpu.dot_dimension_numbers<[1], [0], [0], [1], [0, 0, 1, 1], [], []>, transpose_lhs_hint = false} : vector<1000x512xf32>, vector<512x128xf32>, vector<1000x128xf32> -> vector<1000x128xf32>
    %dot_general3A_24 = arith.constant dense<0.000000e+00> : vector<1000x512xf32>
    %dot_general3A_25 = tpu.matmul %dot_general3A_23, %get3A_10, %dot_general3A_24 {dimension_numbers = #tpu.dot_dimension_numbers<[1], [0], [0], [1], [0, 0, 1, 1], [], []>, transpose_lhs_hint = false} : vector<1000x128xf32>, vector<128x512xf32>, vector<1000x512xf32> -> vector<1000x512xf32>
    %add3A = vector.broadcast %get3A_16 : vector<1x512xf32> to vector<1000x512xf32>
    %add3A_26 = arith.addf %dot_general3A_25, %add3A : vector<1000x512xf32>
    %slice3A_27 = vector.extract_strided_slice %add3A_26 {offsets = [0, 0], sizes = [1000, 128], strides = [1, 1]} : vector<1000x512xf32> to vector<1000x128xf32>
    %logistic3A = arith.negf %slice3A_27 : vector<1000x128xf32>
    %logistic3A_28 = math.exp %logistic3A : vector<1000x128xf32>
    %logistic3A_29 = arith.constant 1.000000e+00 : f32
    %logistic3A_30 = vector.broadcast %logistic3A_29 : f32 to vector<1000x128xf32>
    %logistic3A_31 = arith.addf %logistic3A_30, %logistic3A_28 : vector<1000x128xf32>
    %logistic3A_32 = arith.divf %logistic3A_30, %logistic3A_31 : vector<1000x128xf32>
    %slice3A_33 = vector.extract_strided_slice %add3A_26 {offsets = [0, 256], sizes = [1000, 128], strides = [1, 1]} : vector<1000x512xf32> to vector<1000x128xf32>
    %tanh3A = math.tanh %slice3A_33 : vector<1000x128xf32>
    %slice3A_34 = vector.extract_strided_slice %add3A_26 {offsets = [0, 384], sizes = [1000, 128], strides = [1, 1]} : vector<1000x512xf32> to vector<1000x128xf32>
    %logistic3A_35 = arith.negf %slice3A_34 : vector<1000x128xf32>
    %logistic3A_36 = math.exp %logistic3A_35 : vector<1000x128xf32>
    %logistic3A_37 = arith.constant 1.000000e+00 : f32
    %logistic3A_38 = vector.broadcast %logistic3A_37 : f32 to vector<1000x128xf32>
    %logistic3A_39 = arith.addf %logistic3A_38, %logistic3A_36 : vector<1000x128xf32>
    %logistic3A_40 = arith.divf %logistic3A_38, %logistic3A_39 : vector<1000x128xf32>
    %mul3A = arith.mulf %logistic3A_32, %tanh3A : vector<1000x128xf32>
    %tanh3A_41 = math.tanh %mul3A : vector<1000x128xf32>
    %mul3A_42 = arith.mulf %logistic3A_40, %tanh3A_41 : vector<1000x128xf32>
    %slice3A_43 = vector.extract_strided_slice %get3A_1 {offsets = [0, 2], sizes = [1000, 1], strides = [1, 1]} : vector<1000x4xi32> to vector<1000x1xi32>
    %eq3A_44 = vector.broadcast %slice3A_43 : vector<1000x1xi32> to vector<1000x512xi32>
    %eq3A_45 = arith.cmpi eq, %iota3A, %eq3A_44 : vector<1000x512xi32>
    %convert_element_type3A_46 = arith.extui %eq3A_45 : vector<1000x512xi1> to vector<1000x512xi32>
    %convert_element_type3A_47 = arith.sitofp %convert_element_type3A_46 : vector<1000x512xi32> to vector<1000x512xf32>
    %dot_general3A_48 = arith.constant dense<0.000000e+00> : vector<1000x128xf32>
    %dot_general3A_49 = tpu.matmul %convert_element_type3A_47, %get3A_4, %dot_general3A_48 {dimension_numbers = #tpu.dot_dimension_numbers<[1], [0], [0], [1], [0, 0, 1, 1], [], []>, transpose_lhs_hint = false} : vector<1000x512xf32>, vector<512x128xf32>, vector<1000x128xf32> -> vector<1000x128xf32>
    %dot_general3A_50 = arith.constant dense<0.000000e+00> : vector<1000x512xf32>
    %dot_general3A_51 = tpu.matmul %dot_general3A_49, %get3A_10, %dot_general3A_50 {dimension_numbers = #tpu.dot_dimension_numbers<[1], [0], [0], [1], [0, 0, 1, 1], [], []>, transpose_lhs_hint = false} : vector<1000x128xf32>, vector<128x512xf32>, vector<1000x512xf32> -> vector<1000x512xf32>
    %add3A_52 = vector.broadcast %get3A_16 : vector<1x512xf32> to vector<1000x512xf32>
    %add3A_53 = arith.addf %dot_general3A_51, %add3A_52 : vector<1000x512xf32>
    %dot_general3A_54 = arith.constant dense<0.000000e+00> : vector<1000x512xf32>
    %dot_general3A_55 = tpu.matmul %mul3A_42, %get3A_13, %dot_general3A_54 {dimension_numbers = #tpu.dot_dimension_numbers<[1], [0], [0], [1], [0, 0, 1, 1], [], []>, transpose_lhs_hint = false} : vector<1000x128xf32>, vector<128x512xf32>, vector<1000x512xf32> -> vector<1000x512xf32>
    %add3A_56 = arith.addf %add3A_53, %dot_general3A_55 : vector<1000x512xf32>
    %slice3A_57 = vector.extract_strided_slice %add3A_56 {offsets = [0, 0], sizes = [1000, 128], strides = [1, 1]} : vector<1000x512xf32> to vector<1000x128xf32>
    %logistic3A_58 = arith.negf %slice3A_57 : vector<1000x128xf32>
    %logistic3A_59 = math.exp %logistic3A_58 : vector<1000x128xf32>
    %logistic3A_60 = arith.constant 1.000000e+00 : f32
    %logistic3A_61 = vector.broadcast %logistic3A_60 : f32 to vector<1000x128xf32>
    %logistic3A_62 = arith.addf %logistic3A_61, %logistic3A_59 : vector<1000x128xf32>
    %logistic3A_63 = arith.divf %logistic3A_61, %logistic3A_62 : vector<1000x128xf32>
    %slice3A_64 = vector.extract_strided_slice %add3A_56 {offsets = [0, 128], sizes = [1000, 128], strides = [1, 1]} : vector<1000x512xf32> to vector<1000x128xf32>
    %logistic3A_65 = arith.negf %slice3A_64 : vector<1000x128xf32>
    %logistic3A_66 = math.exp %logistic3A_65 : vector<1000x128xf32>
    %logistic3A_67 = arith.constant 1.000000e+00 : f32
    %logistic3A_68 = vector.broadcast %logistic3A_67 : f32 to vector<1000x128xf32>
    %logistic3A_69 = arith.addf %logistic3A_68, %logistic3A_66 : vector<1000x128xf32>
    %logistic3A_70 = arith.divf %logistic3A_68, %logistic3A_69 : vector<1000x128xf32>
    %slice3A_71 = vector.extract_strided_slice %add3A_56 {offsets = [0, 256], sizes = [1000, 128], strides = [1, 1]} : vector<1000x512xf32> to vector<1000x128xf32>
    %tanh3A_72 = math.tanh %slice3A_71 : vector<1000x128xf32>
    %slice3A_73 = vector.extract_strided_slice %add3A_56 {offsets = [0, 384], sizes = [1000, 128], strides = [1, 1]} : vector<1000x512xf32> to vector<1000x128xf32>
    %logistic3A_74 = arith.negf %slice3A_73 : vector<1000x128xf32>
    %logistic3A_75 = math.exp %logistic3A_74 : vector<1000x128xf32>
    %logistic3A_76 = arith.constant 1.000000e+00 : f32
    %logistic3A_77 = vector.broadcast %logistic3A_76 : f32 to vector<1000x128xf32>
    %logistic3A_78 = arith.addf %logistic3A_77, %logistic3A_75 : vector<1000x128xf32>
    %logistic3A_79 = arith.divf %logistic3A_77, %logistic3A_78 : vector<1000x128xf32>
    %mul3A_80 = arith.mulf %logistic3A_70, %mul3A : vector<1000x128xf32>
    %mul3A_81 = arith.mulf %logistic3A_63, %tanh3A_72 : vector<1000x128xf32>
    %add3A_82 = arith.addf %mul3A_80, %mul3A_81 : vector<1000x128xf32>
    %tanh3A_83 = math.tanh %add3A_82 : vector<1000x128xf32>
    %mul3A_84 = arith.mulf %logistic3A_79, %tanh3A_83 : vector<1000x128xf32>
    %slice3A_85 = vector.extract_strided_slice %get3A_1 {offsets = [0, 3], sizes = [1000, 1], strides = [1, 1]} : vector<1000x4xi32> to vector<1000x1xi32>
    %eq3A_86 = vector.broadcast %slice3A_85 : vector<1000x1xi32> to vector<1000x512xi32>
    %eq3A_87 = arith.cmpi eq, %iota3A, %eq3A_86 : vector<1000x512xi32>
    %convert_element_type3A_88 = arith.extui %eq3A_87 : vector<1000x512xi1> to vector<1000x512xi32>
    %convert_element_type3A_89 = arith.sitofp %convert_element_type3A_88 : vector<1000x512xi32> to vector<1000x512xf32>
    %dot_general3A_90 = arith.constant dense<0.000000e+00> : vector<1000x128xf32>
    %dot_general3A_91 = tpu.matmul %convert_element_type3A_89, %get3A_4, %dot_general3A_90 {dimension_numbers = #tpu.dot_dimension_numbers<[1], [0], [0], [1], [0, 0, 1, 1], [], []>, transpose_lhs_hint = false} : vector<1000x512xf32>, vector<512x128xf32>, vector<1000x128xf32> -> vector<1000x128xf32>
    %dot_general3A_92 = arith.constant dense<0.000000e+00> : vector<1000x512xf32>
    %dot_general3A_93 = tpu.matmul %dot_general3A_91, %get3A_10, %dot_general3A_92 {dimension_numbers = #tpu.dot_dimension_numbers<[1], [0], [0], [1], [0, 0, 1, 1], [], []>, transpose_lhs_hint = false} : vector<1000x128xf32>, vector<128x512xf32>, vector<1000x512xf32> -> vector<1000x512xf32>
    %add3A_94 = vector.broadcast %get3A_16 : vector<1x512xf32> to vector<1000x512xf32>
    %add3A_95 = arith.addf %dot_general3A_93, %add3A_94 : vector<1000x512xf32>
    %dot_general3A_96 = arith.constant dense<0.000000e+00> : vector<1000x512xf32>
    %dot_general3A_97 = tpu.matmul %mul3A_84, %get3A_13, %dot_general3A_96 {dimension_numbers = #tpu.dot_dimension_numbers<[1], [0], [0], [1], [0, 0, 1, 1], [], []>, transpose_lhs_hint = false} : vector<1000x128xf32>, vector<128x512xf32>, vector<1000x512xf32> -> vector<1000x512xf32>
    %add3A_98 = arith.addf %add3A_95, %dot_general3A_97 : vector<1000x512xf32>
    %slice3A_99 = vector.extract_strided_slice %add3A_98 {offsets = [0, 0], sizes = [1000, 128], strides = [1, 1]} : vector<1000x512xf32> to vector<1000x128xf32>
    %logistic3A_100 = arith.negf %slice3A_99 : vector<1000x128xf32>
    %logistic3A_101 = math.exp %logistic3A_100 : vector<1000x128xf32>
    %logistic3A_102 = arith.constant 1.000000e+00 : f32
    %logistic3A_103 = vector.broadcast %logistic3A_102 : f32 to vector<1000x128xf32>
    %logistic3A_104 = arith.addf %logistic3A_103, %logistic3A_101 : vector<1000x128xf32>
    %logistic3A_105 = arith.divf %logistic3A_103, %logistic3A_104 : vector<1000x128xf32>
    %slice3A_106 = vector.extract_strided_slice %add3A_98 {offsets = [0, 128], sizes = [1000, 128], strides = [1, 1]} : vector<1000x512xf32> to vector<1000x128xf32>
    %logistic3A_107 = arith.negf %slice3A_106 : vector<1000x128xf32>
    %logistic3A_108 = math.exp %logistic3A_107 : vector<1000x128xf32>
    %logistic3A_109 = arith.constant 1.000000e+00 : f32
    %logistic3A_110 = vector.broadcast %logistic3A_109 : f32 to vector<1000x128xf32>
    %logistic3A_111 = arith.addf %logistic3A_110, %logistic3A_108 : vector<1000x128xf32>
    %logistic3A_112 = arith.divf %logistic3A_110, %logistic3A_111 : vector<1000x128xf32>
    %slice3A_113 = vector.extract_strided_slice %add3A_98 {offsets = [0, 256], sizes = [1000, 128], strides = [1, 1]} : vector<1000x512xf32> to vector<1000x128xf32>
    %tanh3A_114 = math.tanh %slice3A_113 : vector<1000x128xf32>
    %slice3A_115 = vector.extract_strided_slice %add3A_98 {offsets = [0, 384], sizes = [1000, 128], strides = [1, 1]} : vector<1000x512xf32> to vector<1000x128xf32>
    %logistic3A_116 = arith.negf %slice3A_115 : vector<1000x128xf32>
    %logistic3A_117 = math.exp %logistic3A_116 : vector<1000x128xf32>
    %logistic3A_118 = arith.constant 1.000000e+00 : f32
    %logistic3A_119 = vector.broadcast %logistic3A_118 : f32 to vector<1000x128xf32>
    %logistic3A_120 = arith.addf %logistic3A_119, %logistic3A_117 : vector<1000x128xf32>
    %logistic3A_121 = arith.divf %logistic3A_119, %logistic3A_120 : vector<1000x128xf32>
    %mul3A_122 = arith.mulf %logistic3A_112, %add3A_82 : vector<1000x128xf32>
    %mul3A_123 = arith.mulf %logistic3A_105, %tanh3A_114 : vector<1000x128xf32>
    %add3A_124 = arith.addf %mul3A_122, %mul3A_123 : vector<1000x128xf32>
    %tanh3A_125 = math.tanh %add3A_124 : vector<1000x128xf32>
    %mul3A_126 = arith.mulf %logistic3A_121, %tanh3A_125 : vector<1000x128xf32>
    %mul3A_127 = arith.mulf %dot_general3A_7, %dot_general3A_7 : vector<1000x128xf32>
    %reduce_sum3A = arith.constant dense<0.000000e+00> : vector<1000xf32>
    %reduce_sum3A_128 = vector.multi_reduction <add>, %mul3A_127, %reduce_sum3A [1] : vector<1000x128xf32> to vector<1000xf32>
    %broadcast_in_dim3A = vector.shape_cast %reduce_sum3A_128 : vector<1000xf32> to vector<1000x1xf32>
    %sqrt3A = math.sqrt %broadcast_in_dim3A : vector<1000x1xf32>
    %max3A = arith.constant 9.99999993E-9 : f32
    %max3A_129 = vector.broadcast %max3A : f32 to vector<1000x1xf32>
    %max3A_130 = arith.maximumf %sqrt3A, %max3A_129 : vector<1000x1xf32>
    %mul3A_131 = arith.mulf %mul3A_126, %mul3A_126 : vector<1000x128xf32>
    %reduce_sum3A_132 = arith.constant dense<0.000000e+00> : vector<1000xf32>
    %reduce_sum3A_133 = vector.multi_reduction <add>, %mul3A_131, %reduce_sum3A_132 [1] : vector<1000x128xf32> to vector<1000xf32>
    %broadcast_in_dim3A_134 = vector.shape_cast %reduce_sum3A_133 : vector<1000xf32> to vector<1000x1xf32>
    %sqrt3A_135 = math.sqrt %broadcast_in_dim3A_134 : vector<1000x1xf32>
    %max3A_136 = arith.constant 9.99999993E-9 : f32
    %max3A_137 = vector.broadcast %max3A_136 : f32 to vector<1000x1xf32>
    %max3A_138 = arith.maximumf %sqrt3A_135, %max3A_137 : vector<1000x1xf32>
    %mul3A_139 = arith.mulf %dot_general3A_7, %mul3A_126 : vector<1000x128xf32>
    %reduce_sum3A_140 = arith.constant dense<0.000000e+00> : vector<1000xf32>
    %reduce_sum3A_141 = vector.multi_reduction <add>, %mul3A_139, %reduce_sum3A_140 [1] : vector<1000x128xf32> to vector<1000xf32>
    %broadcast_in_dim3A_142 = vector.shape_cast %reduce_sum3A_141 : vector<1000xf32> to vector<1000x1xf32>
    %mul3A_143 = arith.mulf %max3A_130, %max3A_138 : vector<1000x1xf32>
    %div3A = arith.divf %broadcast_in_dim3A_142, %mul3A_143 : vector<1000x1xf32>
    %swap3A = arith.constant 0 : index
    %swap3A_144 = arith.constant 0 : index
    %swap3A_145 = vector.load %arg6[%swap3A, %swap3A_144] : memref<1000x1xf32, #tpu.memory_space<vmem>>, vector<1000x1xf32>
    tpu.vector_store %arg6[%swap3A, %swap3A_144], %div3A {strides = array<i32>} : memref<1000x1xf32, #tpu.memory_space<vmem>>, vector<1000x1xf32>,
    return
  }
  func.func @transform_0(%arg0: i32) -> (i32, i32) {
    %c0_i32 = arith.constant 0 : i32
    %c0_i32_0 = arith.constant 0 : i32
    return %arg0, %c0_i32 : i32, i32
  }
  func.func @transform_1(%arg0: i32) -> (i32, i32) {
    %c0_i32 = arith.constant 0 : i32
    %c0_i32_0 = arith.constant 0 : i32
    %c0_i32_1 = arith.constant 0 : i32
    return %c0_i32, %c0_i32_0 : i32, i32
  }
  func.func @transform_2(%arg0: i32) -> (i32, i32) {
    %c0_i32 = arith.constant 0 : i32
    %c0_i32_0 = arith.constant 0 : i32
    %c0_i32_1 = arith.constant 0 : i32
    return %c0_i32, %c0_i32_0 : i32, i32
  }
  func.func @transform_3(%arg0: i32) -> (i32, i32) {
    %c0_i32 = arith.constant 0 : i32
    %c0_i32_0 = arith.constant 0 : i32
    %c0_i32_1 = arith.constant 0 : i32
    return %c0_i32, %c0_i32_0 : i32, i32
  }
  func.func @transform_4(%arg0: i32) -> (i32, i32) {
    %c0_i32 = arith.constant 0 : i32
    %c0_i32_0 = arith.constant 0 : i32
    %c0_i32_1 = arith.constant 0 : i32
    return %c0_i32, %c0_i32_0 : i32, i32
  }
  func.func @transform_5(%arg0: i32) -> (i32, i32) {
    %c0_i32 = arith.constant 0 : i32
    %c0_i32_0 = arith.constant 0 : i32
    return %arg0, %c0_i32 : i32, i32
  }
}

module attributes {stable_mosaic.version = 14 : i64} {
  func.func @_combine_body(%arg0: i32, %arg1: memref<1x2x50176xf32, #tpu.memory_space<vmem>>, %arg2: memref<1x2x50176xf32, #tpu.memory_space<vmem>>, %arg3: memref<1x1x1xf32, #tpu.memory_space<vmem>>, %arg4: memref<1x1x50000xf32, #tpu.memory_space<vmem>>) attributes {dimension_semantics = [#tpu.dimension_semantics<arbitrary>], iteration_bounds = array<i64: 16>, scalar_prefetch = 0 : i64, scratch_operands = 0 : i64, tpu.core_type = #tpu.core_type<tc>, window_params = [{transform_indices = @transform_0, window_bounds = array<i64: 1, 2, 50176>}, {transform_indices = @transform_1, window_bounds = array<i64: 1, 2, 50176>}, {transform_indices = @transform_2, window_bounds = array<i64: 1, 1, 1>}, {transform_indices = @transform_3, window_bounds = array<i64: 1, 1, 50000>}]} {
    %get3A = arith.constant 0 : index
    %get3A_0 = arith.constant 0 : index
    %get3A_1 = arith.constant 0 : index
    %get3A_2 = vector.load %arg1[%get3A, %get3A_0, %get3A_1] : memref<1x2x50176xf32, #tpu.memory_space<vmem>>, vector<1x2x50176xf32>
    %get3A_3 = arith.constant 0 : index
    %get3A_4 = arith.constant 0 : index
    %get3A_5 = arith.constant 0 : index
    %get3A_6 = vector.load %arg2[%get3A_3, %get3A_4, %get3A_5] : memref<1x2x50176xf32, #tpu.memory_space<vmem>>, vector<1x2x50176xf32>
    %slice3A = vector.extract_strided_slice %get3A_2 {offsets = [0, 0, 0], sizes = [1, 1, 50176], strides = [1, 1, 1]} : vector<1x2x50176xf32> to vector<1x1x50176xf32>
    %squeeze3A = vector.shape_cast %slice3A : vector<1x1x50176xf32> to vector<1x50176xf32>
    %slice3A_7 = vector.extract_strided_slice %get3A_2 {offsets = [0, 1, 0], sizes = [1, 1, 50176], strides = [1, 1, 1]} : vector<1x2x50176xf32> to vector<1x1x50176xf32>
    %squeeze3A_8 = vector.shape_cast %slice3A_7 : vector<1x1x50176xf32> to vector<1x50176xf32>
    %add3A = arith.addf %squeeze3A, %squeeze3A_8 : vector<1x50176xf32>
    %slice3A_9 = vector.extract_strided_slice %get3A_6 {offsets = [0, 0, 0], sizes = [1, 1, 50176], strides = [1, 1, 1]} : vector<1x2x50176xf32> to vector<1x1x50176xf32>
    %squeeze3A_10 = vector.shape_cast %slice3A_9 : vector<1x1x50176xf32> to vector<1x50176xf32>
    %slice3A_11 = vector.extract_strided_slice %get3A_6 {offsets = [0, 1, 0], sizes = [1, 1, 50176], strides = [1, 1, 1]} : vector<1x2x50176xf32> to vector<1x1x50176xf32>
    %squeeze3A_12 = vector.shape_cast %slice3A_11 : vector<1x1x50176xf32> to vector<1x50176xf32>
    %add3A_13 = arith.addf %squeeze3A_10, %squeeze3A_12 : vector<1x50176xf32>
    %iota3A = tpu.iota {dimensions = array<i32: 1>} : vector<1x50176xi32>
    %lt3A = arith.constant 50000 : i32
    %lt3A_14 = vector.broadcast %lt3A : i32 to vector<1x50176xi32>
    %lt3A_15 = arith.cmpi slt, %iota3A, %lt3A_14 : vector<1x50176xi32>
    %jit3A = arith.constant -1.000000e+30 : f32
    %broadcast_in_dim3A = vector.broadcast %jit3A : f32 to vector<1x50176xf32>
    %select_n3A = arith.select %lt3A_15, %add3A, %broadcast_in_dim3A : vector<1x50176xi1>, vector<1x50176xf32>
    %reduce_max3A = arith.constant dense<0xFF800000> : vector<1xf32>
    %reduce_max3A_16 = vector.multi_reduction <maximumf>, %select_n3A, %reduce_max3A [1] : vector<1x50176xf32> to vector<1xf32>
    %broadcast_in_dim3A_17 = vector.shape_cast %reduce_max3A_16 : vector<1xf32> to vector<1x1xf32>
    %sub3A = vector.broadcast %broadcast_in_dim3A_17 : vector<1x1xf32> to vector<1x50176xf32>
    %sub3A_18 = arith.subf %add3A, %sub3A : vector<1x50176xf32>
    %exp3A = math.exp %sub3A_18 : vector<1x50176xf32>
    %jit3A_19 = arith.constant 0.000000e+00 : f32
    %broadcast_in_dim3A_20 = vector.broadcast %jit3A_19 : f32 to vector<1x50176xf32>
    %select_n3A_21 = arith.select %lt3A_15, %exp3A, %broadcast_in_dim3A_20 : vector<1x50176xi1>, vector<1x50176xf32>
    %reduce_sum3A = arith.constant dense<0.000000e+00> : vector<1xf32>
    %reduce_sum3A_22 = vector.multi_reduction <add>, %select_n3A_21, %reduce_sum3A [1] : vector<1x50176xf32> to vector<1xf32>
    %broadcast_in_dim3A_23 = vector.shape_cast %reduce_sum3A_22 : vector<1xf32> to vector<1x1xf32>
    %div3A = vector.broadcast %broadcast_in_dim3A_23 : vector<1x1xf32> to vector<1x50176xf32>
    %div3A_24 = arith.divf %select_n3A_21, %div3A : vector<1x50176xf32>
    %jit3A_25 = arith.constant -1.000000e+30 : f32
    %broadcast_in_dim3A_26 = vector.broadcast %jit3A_25 : f32 to vector<1x50176xf32>
    %select_n3A_27 = arith.select %lt3A_15, %add3A_13, %broadcast_in_dim3A_26 : vector<1x50176xi1>, vector<1x50176xf32>
    %reduce_max3A_28 = arith.constant dense<0xFF800000> : vector<1xf32>
    %reduce_max3A_29 = vector.multi_reduction <maximumf>, %select_n3A_27, %reduce_max3A_28 [1] : vector<1x50176xf32> to vector<1xf32>
    %broadcast_in_dim3A_30 = vector.shape_cast %reduce_max3A_29 : vector<1xf32> to vector<1x1xf32>
    %sub3A_31 = vector.broadcast %broadcast_in_dim3A_30 : vector<1x1xf32> to vector<1x50176xf32>
    %sub3A_32 = arith.subf %add3A_13, %sub3A_31 : vector<1x50176xf32>
    %exp3A_33 = math.exp %sub3A_32 : vector<1x50176xf32>
    %jit3A_34 = arith.constant 0.000000e+00 : f32
    %broadcast_in_dim3A_35 = vector.broadcast %jit3A_34 : f32 to vector<1x50176xf32>
    %select_n3A_36 = arith.select %lt3A_15, %exp3A_33, %broadcast_in_dim3A_35 : vector<1x50176xi1>, vector<1x50176xf32>
    %reduce_sum3A_37 = arith.constant dense<0.000000e+00> : vector<1xf32>
    %reduce_sum3A_38 = vector.multi_reduction <add>, %select_n3A_36, %reduce_sum3A_37 [1] : vector<1x50176xf32> to vector<1xf32>
    %broadcast_in_dim3A_39 = vector.shape_cast %reduce_sum3A_38 : vector<1xf32> to vector<1x1xf32>
    %div3A_40 = vector.broadcast %broadcast_in_dim3A_39 : vector<1x1xf32> to vector<1x50176xf32>
    %div3A_41 = arith.divf %select_n3A_36, %div3A_40 : vector<1x50176xf32>
    %get3A_42 = arith.constant 0 : index
    %get3A_43 = arith.constant 0 : index
    %get3A_44 = arith.constant 0 : index
    %get3A_45 = vector.load %arg3[%get3A_42, %get3A_43, %get3A_44] : memref<1x1x1xf32, #tpu.memory_space<vmem>>, vector<1x1x1xf32>
    %reshape3A = vector.shape_cast %get3A_45 : vector<1x1x1xf32> to vector<1x1xf32>
    %sub3A_46 = arith.constant 1.000000e+00 : f32
    %sub3A_47 = vector.broadcast %sub3A_46 : f32 to vector<1x1xf32>
    %sub3A_48 = arith.subf %sub3A_47, %reshape3A : vector<1x1xf32>
    %mul3A = vector.broadcast %sub3A_48 : vector<1x1xf32> to vector<1x50176xf32>
    %mul3A_49 = arith.mulf %mul3A, %div3A_41 : vector<1x50176xf32>
    %mul3A_50 = vector.broadcast %reshape3A : vector<1x1xf32> to vector<1x50176xf32>
    %mul3A_51 = arith.mulf %mul3A_50, %div3A_24 : vector<1x50176xf32>
    %add3A_52 = arith.addf %mul3A_49, %mul3A_51 : vector<1x50176xf32>
    %slice3A_53 = vector.extract_strided_slice %add3A_52 {offsets = [0, 0], sizes = [1, 50000], strides = [1, 1]} : vector<1x50176xf32> to vector<1x50000xf32>
    %reshape3A_54 = vector.shape_cast %slice3A_53 : vector<1x50000xf32> to vector<1x1x50000xf32>
    %swap3A = arith.constant 0 : index
    %swap3A_55 = arith.constant 0 : index
    %swap3A_56 = arith.constant 0 : index
    %swap3A_57 = vector.load %arg4[%swap3A, %swap3A_55, %swap3A_56] : memref<1x1x50000xf32, #tpu.memory_space<vmem>>, vector<1x1x50000xf32>
    tpu.vector_store %arg4[%swap3A, %swap3A_55, %swap3A_56], %reshape3A_54 {strides = array<i32>} : memref<1x1x50000xf32, #tpu.memory_space<vmem>>, vector<1x1x50000xf32>,
    return
  }
  func.func @transform_0(%arg0: i32) -> (i32, i32, i32) {
    %c0_i32 = arith.constant 0 : i32
    %c0_i32_0 = arith.constant 0 : i32
    %c0_i32_1 = arith.constant 0 : i32
    return %arg0, %c0_i32, %c0_i32_0 : i32, i32, i32
  }
  func.func @transform_1(%arg0: i32) -> (i32, i32, i32) {
    %c0_i32 = arith.constant 0 : i32
    %c0_i32_0 = arith.constant 0 : i32
    %c0_i32_1 = arith.constant 0 : i32
    return %arg0, %c0_i32, %c0_i32_0 : i32, i32, i32
  }
  func.func @transform_2(%arg0: i32) -> (i32, i32, i32) {
    %c0_i32 = arith.constant 0 : i32
    %c0_i32_0 = arith.constant 0 : i32
    %c0_i32_1 = arith.constant 0 : i32
    return %arg0, %c0_i32, %c0_i32_0 : i32, i32, i32
  }
  func.func @transform_3(%arg0: i32) -> (i32, i32, i32) {
    %c0_i32 = arith.constant 0 : i32
    %c0_i32_0 = arith.constant 0 : i32
    %c0_i32_1 = arith.constant 0 : i32
    return %arg0, %c0_i32, %c0_i32_0 : i32, i32, i32
  }
}

</mosaic_0001>

<sc_bundles>
// kernel: kernel.6.cloned.1.call-start
scs
__scs_entry_jumppad:
0x0: {  	(pc) =	sbr.rel $0x88, $3  }
0x1: {  	(tag) =	ssettag $0x0;
	lr =	simm.s32 $0x1  }
0x2: {  	[smem:$0x3F91] =	sst lr;
	_ =	strace $0xD0000000  }
0x3: {  	_ = 	snop  }
0x4: {  	_ = 	snop  }
0x5: {  	_ = 	snop  }
0x6: {  	_ = 	snop  }
0x7: {  	_ = 	snop  }
__scs_overlays_trampoline_lowered:
0x8: {  	[smem:$0x3FA0] =	sst s0  }
0x9: {  	[smem:$0x3FA1] =	sst s1  }
0xa: {  	[smem:$0x3FA2] =	sst s2  }
0xb: {  	[smem:$0x3FA3] =	sst s3  }
0xc: {  	[smem:$0x3FA4] =	sst s4  }
0xd: {  	[smem:$0x3FA5] =	sst s5  }
0xe: {  	[smem:$0x3FA6] =	sst s6  }
0xf: {  	[smem:$0x3FA7] =	sst s7  }
0x10: {  	[smem:$0x3FA8] =	sst s8  }
0x11: {  	[smem:$0x3FA9] =	sst s9;
	s0 =	simm.s32 @!p0 $0x0  }
0x12: {  	s1 =	sld [smem:$0x3F8F];
	s0 =	simm.s32 @p0 $0x1  }
0x13: {  	[smem:$0x3FAA] =	sst s0;
	s0 =	simm.s32 @!p1 $0x0  }
0x14: {  	s2 =	sld [smem:$0x3F8E];
	s0 =	simm.s32 @p1 $0x1  }
0x15: {  	[smem:$0x3FAB] =	sst s0;
	s0 =	simm.s32 @!p2 $0x0  }
0x16: {  	s3 =	sld [smem:$0x3FDB];
	s0 =	simm.s32 @p2 $0x1  }
0x17: {  	s4 =	simm.s32 $0x1BF5;
	[smem:$0x3FAD] =	sst s0  }
0x18: {  	s0 =	sld [smem:$0x3F90];
	_ =	swait.ge [sflag:s4], $0x0  }
0x19: {  	s7 =	sld [smem:$0x3F91]  }
0x1a: {  	s8 =	sadd.s32 $0xFFFFE003, lr  }
0x1b: {  	s9 =	sadd.s32 $0xFFFFFEF7, lr;
	s5 =	simm.s32 $0xFFFFFFFF;
	p2 =	slt.u32 s8, $0xFFFFF086  }
0x1c: {  	p1 =	slt.u32 s9, $0xF7A;
	s5 =	simm.s32 @!p2 $0x0  }
0x1d: {  	s5 =	simm.s32 @p1 $0x1;
	p0 =	seq.s32 s7, s2  }
0x1e: {  	s7 =	smul.u32 @!p0 $0xF7A, s2;
	p2 =	seq.s32 @!p0 s5, $0x0  }
0x1f: {  	s9 =	smul.u32 $0xF7A, s1;
	s8 =	simm.s32 @!p0 $0x1BF5;
	p2 =	por !p2, p0  }
0x20: {  	[sflag:s8] =	ssyncset.s32 @!p0 $0xFFFFF086;
	s6 =	sadd.s32 @!p0 s3, s7;
	s7 =	simm.s32 @!p0 $0x108  }
0x21: {  	s3 =	sadd.s32 s3, s9;
	s6 =	sadd.s32 @!p0 $0x88, s6;
	s7 =	simm.s32 @p2 $0x1082  }
0x22: {  	[simem:s7], [sflag:s8] =	dma.local @!p0 [hbm:s6], $0xF7A  }
0x23: {  	s9 =	sor.u32 $0xD0000000, s2;
	s6 =	simm.s32 $0x108;
	_ =	swait.ge @!p0 [sflag:s8], $0x0  }
0x24: {  	s3 =	sadd.s32 $0x88, s3;
	s6 =	simm.s32 @!p1 $0x1082;
	[sflag:s4] =	ssyncset.s32 $0xFFFFF086  }
0x25: {  	[simem:s6], [sflag:s4] =	dma.local [hbm:s3], $0xF7A  }
0x26: {  	[smem:$0x3F91] =	sst s1;
	(tag) =	ssettag s2;
	_ =	strace s9  }
0x27: {  	s1 =	sld [smem:$0x3FA1]  }
0x28: {  	s2 =	sld [smem:$0x3FA2]  }
0x29: {  	s4 =	sld [smem:$0x3FA4]  }
0x2a: {  	p0 =	seq.s32 s5, $0x0;
	s5 =	sld [smem:$0x3FA5]  }
0x2b: {  	s6 =	sld [smem:$0x3FA6]  }
0x2c: {  	s7 =	sld [smem:$0x3FA7]  }
0x2d: {  	s3 =	simm.s32 $0x108;
	s8 =	sld [smem:$0x3FA8]  }
0x2e: {  	s3 =	simm.s32 @!p0 $0x1082;
	s9 =	sld [smem:$0x3FA9]  }
0x2f: {  	lr =	sadd.s32 s0, s3;
	s0 =	sld [smem:$0x3FA0]  }
0x30: {  	s3 =	sld [smem:$0x3FA3]  }
0x31: {  	[smem:$0x3FAC] =	sst s10  }
0x32: {  	s10 =	sld [smem:$0x3FAA];
	_ =	sdelay $0x3  }
0x33: {  	p0 =	seq.s32 s10, $0x1;
	s10 =	sld [smem:$0x3FAC];
	_ =	sdelay $0x3  }
0x34: {  	[smem:$0x3FAC] =	sst s10  }
0x35: {  	s10 =	sld [smem:$0x3FAB];
	_ =	sdelay $0x3  }
0x36: {  	p1 =	seq.s32 s10, $0x1;
	s10 =	sld [smem:$0x3FAC];
	_ =	sdelay $0x3  }
0x37: {  	[smem:$0x3FAC] =	sst s10  }
0x38: {  	s10 =	sld [smem:$0x3FAD]  }
0x39: {  	_ = 	snop;
	(pc) =	sbr.ind lr, $3  }
0x3a: {  	_ = 	snop  }
0x3b: {  	_ = 	snop  }
0x3c: {  	p2 =	seq.s32 s10, $0x1;
	s10 =	sld [smem:$0x3FAC]  }
0x3d: {  	_ =	shalt  }
0x3e: {  	_ =	shalt  }
0x3f: {  	_ =	shalt  }
0x40: {  	_ =	shalt  }
0x41: {  	_ =	shalt  }
0x42: {  	_ =	shalt  }
0x43: {  	_ =	shalt  }
0x44: {  	_ =	shalt  }
0x45: {  	_ =	shalt  }
0x46: {  	_ =	shalt  }
0x47: {  	_ =	shalt  }
0x48: {  	_ =	shalt  }
0x49: {  	_ =	shalt  }
0x4a: {  	_ =	shalt  }
0x4b: {  	_ =	shalt  }
0x4c: {  	_ =	shalt  }
0x4d: {  	_ =	shalt  }
0x4e: {  	_ =	shalt  }
0x4f: {  	_ =	shalt  }
0x50: {  	_ =	shalt  }
0x51: {  	_ =	shalt  }
0x52: {  	_ =	shalt  }
0x53: {  	_ =	shalt  }
0x54: {  	_ =	shalt  }
0x55: {  	_ =	shalt  }
0x56: {  	_ =	shalt  }
0x57: {  	_ =	shalt  }
0x58: {  	_ =	shalt  }
0x59: {  	_ =	shalt  }
0x5a: {  	_ =	shalt  }
0x5b: {  	_ =	shalt  }
0x5c: {  	_ =	shalt  }
0x5d: {  	_ =	shalt  }
0x5e: {  	_ =	shalt  }
0x5f: {  	_ =	shalt  }
0x60: {  	_ =	shalt  }
0x61: {  	_ =	shalt  }
0x62: {  	_ =	shalt  }
0x63: {  	_ =	shalt  }
0x64: {  	_ =	shalt  }
0x65: {  	_ =	shalt  }
0x66: {  	_ =	shalt  }
0x67: {  	_ =	shalt  }
0x68: {  	_ =	shalt  }
0x69: {  	_ =	shalt  }
0x6a: {  	_ =	shalt  }
0x6b: {  	_ =	shalt  }
0x6c: {  	_ =	shalt  }
0x6d: {  	_ =	shalt  }
0x6e: {  	_ =	shalt  }
0x6f: {  	_ =	shalt  }
0x70: {  	_ =	shalt  }
0x71: {  	_ =	shalt  }
0x72: {  	_ =	shalt  }
0x73: {  	_ =	shalt  }
0x74: {  	_ =	shalt  }
0x75: {  	_ =	shalt  }
0x76: {  	_ =	shalt  }
0x77: {  	_ =	shalt  }
0x78: {  	_ =	shalt  }
0x79: {  	_ =	shalt  }
0x7a: {  	_ =	shalt  }
0x7b: {  	_ =	shalt  }
0x7c: {  	_ =	shalt  }
0x7d: {  	_ =	shalt  }
0x7e: {  	_ =	shalt  }
0x7f: {  	_ =	shalt  }
0x80: {  	_ =	shalt  }
0x81: {  	_ =	shalt  }
0x82: {  	_ =	shalt  }
0x83: {  	_ =	shalt  }
0x84: {  	_ =	shalt  }
0x85: {  	_ =	shalt  }
0x86: {  	_ =	shalt  }
0x87: {  	_ =	shalt  }
.Lfunc_end0:
.L_simem_size_0:
called_computation_lowered:
.L_overlay_start_0:
0x88: {  	s2 =	sld [smem:$0x3FD9]  }
0x89: {  	s3 =	sld [smem:$0x3FFE];
	_ =	sdelay $0x1  }
0x8a: {  	s1 =	srdreg.scid  }
0x8b: {  	s0 =	sand.u32 $0x1, s1  }
0x8c: {  	s14 =	sshll.u32 s0, $0xA;
	s2 =	sadd.s32 s3, s2  }
0x8d: {  	s2 =	sadd.s32 s2, s14  }
0x8e: {  	[smem:$0x3FB8] =	sst s2  }
0x8f: {  	_ = 	snop  }
0x90: {  	s2 =	sld [smem:$0x3FD0]  }
0x91: {  	s15 =	sld [smem:$0x3FC5]  }
0x92: {  	s4 =	sld [smem:$0x3FC4]  }
0x93: {  	s6 =	simm.s32 $0xA;
	s7 =	simm.s32 $0x10;
	s5 =	sld [smem:$0x3FC3]  }
0x94: {  	[smem:s7], [sflag:s6] =	dma.local [hbm:s2], $0x1  }
0x95: {  	_ =	swait.eq [sflag:s6], $0x1  }
0x96: {  	[sflag:s6] =	ssyncset.done $0x0  }
0x97: {  	[sflag:s6] =	ssyncadd.s32 $0xFFFFFFFF  }
0x98: {  	s16 =	sld [smem:$0x10];
	(tm) =	ssettm $0x1  }
0x99: {  	s17 =	sld [smem:$0x3FFB];
	_ =	sdelay $0x3  }
0x9a: {  	_ =	strace s17  }
0x9b: {  	s6 =	sld [smem:$0x3FFC];
	_ =	sdelay $0x3  }
0x9c: {  	_ =	strace s6  }
0x9d: {  	s6 =	sld [smem:$0x3FFD];
	_ =	sdelay $0x3  }
0x9e: {  	_ =	strace s6  }
0x9f: {  	_ =	strace $0x8FFFFFFF  }
0xa0: {  	s18 =	sld [smem:$0x3FDB];
	_ =	sdelay $0x1  }
0xa1: {  	s19 =	simm.s32 $_scs_section_size  }
0xa2: {  	s8 =	simm.s32 $_size__tile_overlayer_lowered;
	s9 =	simm.s32 $_tile_overlayer_lowered  }
0xa3: {  	s22 =	simm.s32 $0x1BFF;
	s21 =	sshll.u32 s9, $0x1;
	s6 =	sadd.s32 s19, s18  }
0xa4: {  	s10 =	simm.s32 $0x0;
	s20 =	sshll.u32 s8, $0x1;
	s8 =	sadd.s32 s21, s6  }
0xa5: {  	[timem:s10], [sflag:s22] =	dma.local [hbm:s8], s20  }
0xa6: {  	_ =	swait.ge [sflag:s22], s20  }
0xa7: {  	s7 =	ssub.s32 $0x0, s20;
	[sflag:s22] =	ssyncset.done $0x0  }
0xa8: {  	[sflag:s22] =	ssyncadd.s32 s7;
	_ =	sdelay $0x1  }
0xa9: {  	s23 =	simm.s32 $0x1B8B  }
0xaa: {  	_ =	swait.ge [sflag:s23], $0x1  }
0xab: {  	[sflag:s23] =	ssyncset.done $0x0  }
0xac: {  	s25 =	simm.s32 $0x1B8E;
	s24 =	sld [smem:$0x3FFE];
	[sflag:s23] =	ssyncadd.s32 $0xFFFFFFFF  }
0xad: {  	s26 =	simm.s32 $execute0_lowered;
	[smem:$0x3FD2] =	sst s25  }
0xae: {  	s8 =	sshll.u32 s26, $0x1;
	_ =	strace $0x80000046;
	[dreg:$0x1] =	wrdreg $0xFFFFFFFF  }
0xaf: {  	s28 =	simm.s32 $_size_execute0_lowered;
	s6 =	sadd.s32 s6, s8;
	[dreg:$0x0] =	wrdreg $0x0  }
0xb0: {  	s8 =	sshll.u32 s28, $0x1;
	[dreg:$0x2] =	wrdreg s6  }
0xb1: {  	[dreg:$0x3] =	wrdreg s8  }
0xb2: {  	[dreg:$0x4] =	wrdreg $0xC0  }
0xb3: {  	_ =	task [dreg:s10], $0x5FFFF  }
0xb4: {  	[dreg:$0x1] =	wrdreg $0xFFFFFFFF  }
0xb5: {  	[dreg:$0x0] =	wrdreg $0x60  }
0xb6: {  	[dreg:$0x2] =	wrdreg s15  }
0xb7: {  	[dreg:$0x3] =	wrdreg s4  }
0xb8: {  	[dreg:$0x4] =	wrdreg s5  }
0xb9: {  	[dreg:$0x5] =	wrdreg s16  }
0xba: {  	[dreg:$0x6] =	wrdreg s24  }
0xbb: {  	[dreg:$0x7] =	wrdreg $0x9  }
0xbc: {  	_ =	task.clear_ibuf [dreg:s10], $0x8FFFF;
	_ =	strace $0x90000046  }
0xbd: {  	s29 =	simm.s32 $0x9;
	_ =	strace $0x80000048  }
0xbe: {  	_ =	swait.ge [sflag:s29], $0x1  }
0xbf: {  	[sflag:s29] =	ssyncadd.s32 $0xFFFFFFFF  }
0xc0: {  	_ =	strace $0x90000048  }
0xc1: {  	_ =	sfence  }
0xc2: {  	s30 =	sld [smem:$0x0];
	_ =	sdelay $0x2  }
0xc3: {  	s31 =	sshll.u32 s1, $0xD;
	s1 =	sshrl.u32 s1, $0x2  }
0xc4: {  	s3 =	sand.u32 $0x4000, s31;
	s1 =	sadd.s32 s1, s30  }
0xc5: {  	s0 =	sor.u32 s3, s0;
	s1 =	sshll.u32 s1, $0x11  }
0xc6: {  	s0 =	sor.u32 s1, s0  }
0xc7: {  	s0 =	sadd.s32 $0x8F2B, s0  }
0xc8: {  	[sflag:s0] =	ssyncadd.remote.s32 $0x1  }
0xc9: {  	_ =	sfence.sel $0xFFFF  }
0xca: {  	[dreg:$0x0] =	wrdreg $0xFFFFFFFF;
	(pc) =	sbr.abs _section_cstart, $3  }
0xcb: {  	[dreg:$0x1] =	wrdreg $0xFFFFFFFF  }
0xcc: {  	_ =	task.clear_ibuf [dreg:s10], $0x2FFFF;
	_ =	strace $0x9FFFFFFF  }
0xcd: {  	(tm) =	ssettm $0x7FFFFFFF  }
tec
execute0_lowered:
.L_overlay_start_1:
0x0: {  	(tag) =	ssettag $0x1  }
0x1: {  	s1 =	rddreg [dreg:$0x0]  }
0x2: {  	s2 =	rddreg [dreg:$0x1]  }
0x3: {  	s3 =	rddreg [dreg:$0x2]  }
0x4: {  	s4 =	rddreg [dreg:$0x3]  }
0x5: {  	s7 =	rddreg [dreg:$0x4]  }
0x6: {  	s0 =	rddreg [dreg:$0x5]  }
0x7: {  	s6 =	simm.s32 $0x0;
	s8 =	srdreg.scid;
	s5 =	stileid.u32  }
0x8: {  	s12 =	simm.s32 $0x1;
	s13 =	simm.s32 $0x3F80;
	s14 =	simm.s32 $0x800  }
0x9: {  	s15 =	simm.s32 $0x1000;
	s16 =	simm.s32 $0x4000;
	s17 =	simm.s32 $0x10400  }
0xa: {  	s18 =	simm.s32 $0x80;
	[smem:$0x7FF] =	sst s6;
	s8 =	sand.u32 $0x1, s8  }
0xb: {  	s9 =	sshll.u32 s5, $0x8;
	s10 =	sshrl.u32 s5, $0x2;
	s11 =	sshll.u32 s8, $0x7  }
0xc: {  	s9 =	sand.u32 $0x300, s9;
	s29 =	sshll.u32 s10, $0xA;
	s10 =	smul.u32 $0x62000, s10  }
0xd: {  	s19 =	simm.s32 $0x400;
	_ =	strace $0x80000047;
	s9 =	sor.u32 s11, s9  }
.Ltmp0:
0xe: {  	s11 =	sor.u32 s29, s9;
	s9 =	sor.u32 s10, s9;
	(pc) =	sbr.rel .LBB2_1-.Ltmp0, $4  }
0xf: {  	s8 =	ssub.s32 $0x2, s8;
	s11 =	sshrl.u32 s11, $0x3;
	s9 =	sshrl.u32 s9, $0x3  }
0x10: {  	s31 =	sshrl.u32 s8, $0x1;
	s30 =	sadd.s32 s11, s7;
	s9 =	sadd.s32 s9, s7  }
0x11: {  	s11 =	ssub.s32 s8, s31;
	s7 =	sadd.s32 $0x2000, s30;
	s8 =	sadd.s32 $0x2200, s9  }
0x12: {  	v0 =	vimm.f32 $0.0e+00;
	v1 =	vlaneseq.u32;
	s9 =	sadd.s32 $0x33200, s9;
	s10 =	smax.u32 s11, $0x1;
	s11 =	simm.s32 $0x1800  }
.LBB2_8:
0x13: {  	[hbm4b:s8+s18] =	stream.strided.scatter [tilespmem:s16], [sflag:$0x1], $0xC400, s19, s18, $0x38;
	[tilespmem:$0x1C800] =	vst v63  }
0x14: {  	s6 =	sadd.s32 $0x1, s6;
	_ =	swait.ge [sflag:s12], $0xC400  }
0x15: {  	p0 =	sne.s32 s6, s10;
	[sflag:s12] =	ssyncset.done $0x0  }
.Ltmp1:
0x16: {  	[sflag:s12] =	ssyncadd.s32 $0xFFFF3C00;
	(pc) =	sbr.rel @!p0 .LBB2_9-.Ltmp1, $4  }
0x17: {  	[hbm4b:s9+s18] =	stream.strided.scatter [tilespmem:s17], [sflag:$0x1], $0xC400, s19, s18, $0x38;
	[tilespmem:$0x1C800] =	vst v63  }
0x18: {  	_ =	swait.ge [sflag:s12], $0xC400  }
0x19: {  	[sflag:s12] =	ssyncset.done $0x0  }
0x1a: {  	[sflag:s12] =	ssyncadd.s32 $0xFFFF3C00  }
.LBB2_1:
0x1b: {  	s20 =	simm.s32 $0x40;
	s21 =	simm.s32 $0x0  }
.LBB2_2:
0x1c: {  	p0 =	sne.s32 s20, $0x30FC0;
	[tilespmem:s21+$0x4000] =	vst v0;
	s22 =	smov.u32 s20;
	s20 =	sadd.s32 $0x40, s20  }
.Ltmp2:
0x1d: {  	[tilespmem:s21+$0x10400] =	vst v0;
	(pc) =	sbr.rel @p0 .LBB2_2-.Ltmp2, $2  }
0x1e: {  	_ =	sdelay $0x2  }
0x1f: {  	s21 =	sshra.s32 s22, $0x2  }
0x20: {  	[tilespmem:s21+$0x4000] =	vst v0  }
0x21: {  	[tilespmem:s21+$0x10400] =	vst v0;
	s20 =	simm.s32 $0x0  }
0x22: {  	[tilespmem:s11], [sflag:$0x1] =	stream.linear.gather [hbm4b:s4+s20], $0x2780, $0x38;
	[tilespmem:$0x1C800] =	vst v63  }
0x23: {  	_ =	swait.ge [sflag:s12], $0x2780  }
0x24: {  	[sflag:s12] =	ssyncset.done $0x0  }
0x25: {  	[sflag:s12] =	ssyncadd.s32 $0xFFFFD880  }
0x26: {  	[tilespmem:s13], [sflag:$0x1] =	stream.linear.gather [hbm4b:s7+s20], $0x80, $0x38;
	[tilespmem:$0x1C800] =	vst v63  }
0x27: {  	_ =	swait.ge [sflag:s12], $0x80  }
0x28: {  	[sflag:s12] =	ssyncset.done $0x0  }
0x29: {  	[sflag:s12] =	ssyncadd.s32 $0xFFFFFF80  }
0x2a: {  	v3 =	vld [tilespmem:$0x3F80];
	_ =	sdelay $0x4  }
0x2b: {  	(v2sf) =	vpush v3, $0x0  }
0x2c: {  	(v2sf) =	vpush v3, $0x1;
	_ =	sdelay $0xd  }
0x2d: {  	s21 =	spop (v2sf)  }
0x2e: {  	s22 =	spop (v2sf)  }
0x2f: {  	p0 =	slt.s32 s22, $0x1  }
.Ltmp3:
0x30: {  	_ = 	snop;
	(pc) =	sbr.rel @p0 .LBB2_8-.Ltmp3, $1  }
0x31: {  	_ =	sdelay $0x3  }
0x32: {  	v2 =	vbroadcast v3, $0x2;
	v3 =	vbroadcast v3, $0x3;
	s23 =	simm.s32 $0x0  }
.LBB2_5:
0x33: {  	s24 =	sshll.u32 s23, $0xB  }
0x34: {  	s24 =	sadd.s32 s21, s24  }
0x35: {  	p0 =	slt.s32 s24, $0x186200;
	s25 =	smov.u32 s24  }
0x36: {  	s25 =	simm.s32 @!p0 $0x186200  }
0x37: {  	s26 =	sshrl.u32 s25, $0x3  }
0x38: {  	s28 =	sadd.s32 s1, s26  }
0x39: {  	[tilespmem:s20], [sflag:$0x1] =	stream.linear.gather [hbm4b:s28+s20], $0x800, $0x38;
	[tilespmem:$0x1C800] =	vst v63  }
0x3a: {  	_ =	swait.ge [sflag:s12], $0x800  }
0x3b: {  	[sflag:s12] =	ssyncset.done $0x0  }
0x3c: {  	s30 =	sadd.s32 s2, s26;
	[sflag:s12] =	ssyncadd.s32 $0xFFFFF800  }
0x3d: {  	[tilespmem:s14], [sflag:$0x1] =	stream.linear.gather [hbm4b:s30+s20], $0x800, $0x38;
	[tilespmem:$0x1C800] =	vst v63  }
0x3e: {  	_ =	swait.ge [sflag:s12], $0x800  }
0x3f: {  	[sflag:s12] =	ssyncset.done $0x0  }
0x40: {  	s26 =	sadd.s32 s3, s26;
	[sflag:s12] =	ssyncadd.s32 $0xFFFFF800  }
0x41: {  	[tilespmem:s15], [sflag:$0x1] =	stream.linear.gather [hbm4b:s26+s20], $0x800, $0x38;
	[tilespmem:$0x1C800] =	vst v63  }
0x42: {  	_ =	swait.ge [sflag:s12], $0x800  }
0x43: {  	[sflag:s12] =	ssyncset.done $0x0  }
0x44: {  	s31 =	simm.s32 $0x0;
	[sflag:s12] =	ssyncadd.s32 $0xFFFFF800  }
0x45: {  	v4 =	vld [tilespmem:s31+$0x1000];
	_ =	sdelay $0x4  }
0x46: {  	v4 =	vmul.f32 $-1.000000010e-01, v4;
	_ =	sdelay $0x1  }
0x47: {  	v4 =	vmul.f32 $1.442695020e+00, v4;
	_ =	sdelay $0x1  }
0x48: {  	(erf) = vpow2.f32 v4  }
0x49: {  	vm0 =	vgt.s32 v2, s24  }
0x4a: {  	v5 =	vor.u32 s25, v1;
	v6 =	vld [tilespmem:s31+$0x0];
	v4 =	vnsel vm0, s24, v2  }
0x4b: {  	vm1 =	vlt.s32 v5, v3;
	v7 =	vld [tilespmem:s31+$0x800];
	vm0 =	vge.s32 v5, v4  }
0x4c: {  	vm0 =	vmand vm0, vm1;
	_ =	sdelay $0x4  }
0x4d: {  	v8 =	vpop (erf)  }
0x4e: {  	[tilespmem:v6+s16+$0x0] =	vst.idx.add.f32.msk vm0, v8  }
0x4f: {  	s25 =	simm.s32 $0x40;
	s24 =	simm.s32 $0x80;
	v7 =	vld.idx.msk [tilespmem:v7+s11+$0x0], vm0  }
.LBB2_6:
0x50: {  	_ =	sdelay $0x2  }
0x51: {  	p0 =	sne.s32 s24, $0x1FC0  }
0x52: {  	s26 =	sshra.s32 s25, $0x2;
	v5 =	vadd.s32 $0x10, v5;
	s25 =	smov.u32 s24;
	s24 =	sadd.s32 $0x40, s24;
	[tilespmem:v6+s17+$0x0] =	vst.idx.add.f32.msk vm0, v7  }
0x53: {  	v6 =	vld [tilespmem:s26+$0x1000];
	_ =	sdelay $0x4  }
0x54: {  	v6 =	vmul.f32 $-1.000000010e-01, v6;
	_ =	sdelay $0x1  }
0x55: {  	v6 =	vmul.f32 $1.442695020e+00, v6;
	_ =	sdelay $0x1  }
0x56: {  	(erf) = vpow2.f32 v6;
	_ =	sdelay $0x1  }
0x57: {  	v6 =	vld [tilespmem:s26+$0x0]  }
0x58: {  	vm1 =	vlt.s32 v5, v3;
	vm0 =	vge.s32 v5, v4;
	v7 =	vld [tilespmem:s26+$0x800]  }
0x59: {  	vm0 =	vmand vm0, vm1;
	_ =	sdelay $0x2  }
.Ltmp4:
0x5a: {  	(pc) =	sbr.rel @p0 .LBB2_6-.Ltmp4, $4  }
0x5b: {  	_ = 	snop  }
0x5c: {  	v8 =	vpop (erf)  }
0x5d: {  	[tilespmem:v6+s16+$0x0] =	vst.idx.add.f32.msk vm0, v8  }
0x5e: {  	v7 =	vld.idx.msk [tilespmem:v7+s11+$0x0], vm0  }
0x5f: {  	_ =	sdelay $0x4  }
0x60: {  	s24 =	sshra.s32 s25, $0x2;
	[tilespmem:v6+s17+$0x0] =	vst.idx.add.f32.msk vm0, v7  }
0x61: {  	v6 =	vld [tilespmem:s24+$0x1000];
	_ =	sdelay $0x4  }
0x62: {  	v6 =	vmul.f32 $-1.000000010e-01, v6;
	_ =	sdelay $0x1  }
0x63: {  	v6 =	vmul.f32 $1.442695020e+00, v6;
	_ =	sdelay $0x1  }
0x64: {  	(erf) = vpow2.f32 v6;
	_ =	sdelay $0x1  }
0x65: {  	v5 =	vadd.s32 $0x10, v5;
	v63 =	vld [tilespmem:s24+$0x0]  }
0x66: {  	vm15 =	vge.s32 v5, v4;
	vm1 =	vlt.s32 v5, v3;
	v7 =	vld [tilespmem:s24+$0x800]  }
0x67: {  	vm0 =	vmand vm15, vm1;
	_ =	sdelay $0x4  }
0x68: {  	v4 =	vpop (erf)  }
0x69: {  	s23 =	sadd.s32 $0x1, s23;
	[tilespmem:v63+s16+$0x0] =	vst.idx.add.f32.msk vm0, v4  }
0x6a: {  	p0 =	sne.s32 s23, s22;
	v4 =	vld.idx.msk [tilespmem:v7+s11+$0x0], vm0  }
.Ltmp5:
0x6b: {  	_ = 	snop;
	(pc) =	sbr.rel @p0 .LBB2_5-.Ltmp5, $4  }
.Ltmp6:
0x6c: {  	_ = 	snop;
	(pc) =	sbr.rel @!p0 .LBB2_8-.Ltmp6, $4  }
0x6d: {  	_ = 	snop  }
0x6e: {  	_ = 	snop  }
0x6f: {  	[tilespmem:v63+s17+$0x0] =	vst.idx.add.f32.msk vm0, v4  }
0x70: {  	_ = 	snop  }
.LBB2_9:
0x71: {  	_ =	sfence.sel $0x180000  }
0x72: {  	[bflag:$0x0] =	sbarrier.arrive $0xFFFF  }
0x73: {  	p0 =	sne.s32 s5, $0x0;
	_ =	strace $0x90000047  }
0x74: {  	s0 =	sadd.s32 @!p0 $0x100000, s0;
	[bflag:$0x2] =	sbarrier.arrive $0xFFFF  }
0x75: {  	[sflag:s0] =	ssyncadd.tile.s32 @!p0 $0x1;
	_ =	shalt  }
.Lfunc_end2:
_tile_overlayer_lowered:
.L_overlay_start_2:
0x76: {  	(tag) =	ssettag $0x2  }
0x77: {  	s0 =	rddreg [dreg:$0x0];
	s2 =	stileid.u32  }
0x78: {  	s1 =	rddreg [dreg:$0x1];
	p0 =	sne.s32 s2, $0x0  }
0x79: {  	s3 =	rddreg [dreg:$0x2];
	[bflag:$0x3] =	sbarrier.arrive $0xFFFF;
	s2 =	simm.s32 @!p0 $0x1C01  }
0x7a: {  	[timem:s3], [sflag:s2] =	dma.local @!p0 [hbm:s0], s1  }
0x7b: {  	s0 =	simm.s32 @!p0 $0x1  }
0x7c: {  	_ =	swait.ge @!p0 [sflag:s0], s1  }
0x7d: {  	s1 =	ssub.s32 @!p0 $0x0, s1;
	[sflag:s0] =	ssyncset.done @!p0 $0x0  }
0x7e: {  	[sflag:s0] =	ssyncadd.s32 @!p0 s1  }
0x7f: {  	[bflag:$0x3] =	sbarrier.arrive $0xFFFF  }
0x80: {  	_ =	shalt  }

</sc_bundles>
